<compile_context>
chip_gen: v7x
topology: tpu7x:2x2x1
jax: 0.10.2.dev20260603
libtpu: 0.0.44.dev20260713+nightly
codegen_flags: <defaults>
</compile_context>

<pallas_src>
import functools

import jax
import jax.numpy as jnp
from jax import lax
from jax.experimental import pallas as pl
from jax.experimental.pallas import tpu as pltpu
from jax.experimental.pallas import tpu_sc as plsc

_N = 10000
_E = 160000
_DIN = 256
_DHID = 512
_NCLS = 40
_NPAD = 128

_NCORES = 2
_NSUB = 16
_CK = 128

_A1_CHUNKS = 79
_A1_PER_SUB = _A1_CHUNKS * _CK

_A2_CHUNKS = 40
_A2_PER_SUB = _A2_CHUNKS * _CK

_NROW = 10112
_TRASH = 10000
_STRIPE = _NROW // _NSUB

_GRID = 5
_ROWBLK = _N // _GRID

_MESH = plsc.VectorSubcoreMesh(core_axis_name="core", subcore_axis_name="subcore")



def _sc_hist(dst_blk, ones, zeros):

    @functools.partial(
        pl.kernel,
        out_type=jax.ShapeDtypeStruct((_NCORES, _NROW, 128), jnp.float32),
        mesh=_MESH,
        scratch_types=[
            pltpu.VMEM((_A2_CHUNKS, _CK), jnp.int32),
            pltpu.VMEM((_CK, 128), jnp.float32),
            pltpu.VMEM_SHARED((_NROW, 128), jnp.float32),
        ],
    )
    def k(dst_hbm, ones_hbm, z_hbm, out_hbm, dst_v, ones_v, hist_sh):
        c = lax.axis_index("core")
        s = lax.axis_index("subcore")
        w = c * _NSUB + s
        pltpu.sync_copy(z_hbm.at[pl.ds(s * _STRIPE, _STRIPE)],
                        hist_sh.at[pl.ds(s * _STRIPE, _STRIPE)])
        pltpu.sync_copy(dst_hbm.at[w], dst_v)
        pltpu.sync_copy(ones_hbm, ones_v)
        plsc.subcore_barrier()

        @pl.loop(0, _A2_CHUNKS)
        def _(j):
            pltpu.sync_copy(ones_v, hist_sh.at[dst_v.at[j]], add=True)

        plsc.subcore_barrier()
        pltpu.sync_copy(hist_sh.at[pl.ds(s * _STRIPE, _STRIPE)],
                        out_hbm.at[c, pl.ds(s * _STRIPE, _STRIPE)])

    return k(dst_blk, ones, zeros)


def _agg_loop(src_hbm, idx_v, dst_v, rows_v, acc_sh, n_chunks):

    @pl.loop(0, n_chunks)
    def _(j):
        pltpu.sync_copy(src_hbm.at[idx_v.at[j]], rows_v)
        pltpu.sync_copy(rows_v, acc_sh.at[dst_v.at[j]], add=True)


def _sc_agg1(x2, idx_blk, dst_blk, zeros):

    @functools.partial(
        pl.kernel,
        out_type=jax.ShapeDtypeStruct((_NCORES, _NROW, 128), jnp.float32),
        mesh=_MESH,
        scratch_types=[
            pltpu.VMEM((_A1_CHUNKS, _CK), jnp.int32),
            pltpu.VMEM((_A1_CHUNKS, _CK), jnp.int32),
            pltpu.VMEM((_CK, 128), jnp.float32),
            pltpu.VMEM_SHARED((_NROW, 128), jnp.float32),
        ],
    )
    def k(x2_hbm, idx_hbm, dst_hbm, z_hbm, out_hbm, idx_v, dst_v, rows_v, acc_sh):
        c = lax.axis_index("core")
        s = lax.axis_index("subcore")
        w = c * _NSUB + s
        pltpu.sync_copy(z_hbm.at[pl.ds(s * _STRIPE, _STRIPE)],
                        acc_sh.at[pl.ds(s * _STRIPE, _STRIPE)])
        pltpu.sync_copy(idx_hbm.at[w], idx_v)
        pltpu.sync_copy(dst_hbm.at[s], dst_v)
        plsc.subcore_barrier()

        _agg_loop(x2_hbm, idx_v, dst_v, rows_v, acc_sh, _A1_CHUNKS)

        plsc.subcore_barrier()
        pltpu.sync_copy(acc_sh.at[pl.ds(s * _STRIPE, _STRIPE)],
                        out_hbm.at[c, pl.ds(s * _STRIPE, _STRIPE)])

    return k(x2, idx_blk, dst_blk, zeros)


def _sc_agg2(ps, src_blk, dst_blk, zeros):

    @functools.partial(
        pl.kernel,
        out_type=jax.ShapeDtypeStruct((_NCORES, _NROW, _NPAD), jnp.float32),
        mesh=_MESH,
        scratch_types=[
            pltpu.VMEM((_A2_CHUNKS, _CK), jnp.int32),
            pltpu.VMEM((_A2_CHUNKS, _CK), jnp.int32),
            pltpu.VMEM((_CK, _NPAD), jnp.float32),
            pltpu.VMEM_SHARED((_NROW, _NPAD), jnp.float32),
        ],
    )
    def k(ps_hbm, idx_hbm, dst_hbm, z_hbm, out_hbm, idx_v, dst_v, rows_v, acc_sh):
        c = lax.axis_index("core")
        s = lax.axis_index("subcore")
        w = c * _NSUB + s
        pltpu.sync_copy(z_hbm.at[pl.ds(s * _STRIPE, _STRIPE)],
                        acc_sh.at[pl.ds(s * _STRIPE, _STRIPE)])
        pltpu.sync_copy(idx_hbm.at[w], idx_v)
        pltpu.sync_copy(dst_hbm.at[w], dst_v)
        plsc.subcore_barrier()

        _agg_loop(ps_hbm, idx_v, dst_v, rows_v, acc_sh, _A2_CHUNKS)

        plsc.subcore_barrier()
        pltpu.sync_copy(acc_sh.at[pl.ds(s * _STRIPE, _STRIPE)],
                        out_hbm.at[c, pl.ds(s * _STRIPE, _STRIPE)])

    return k(ps, src_blk, dst_blk, zeros)



def _dinv_of(hp_ref):
    deg = hp_ref[0, :, 0:1] + hp_ref[1, :, 0:1] + 1.0
    return lax.rsqrt(deg)


def _tc_scale(x, histp):
    def body(hp_ref, x_ref, o_ref):
        o_ref[...] = x_ref[...] * _dinv_of(hp_ref)

    return pl.pallas_call(
        body,
        grid=(_GRID,),
        in_specs=[
            pl.BlockSpec((_NCORES, _ROWBLK, 128), lambda i: (0, i, 0)),
            pl.BlockSpec((_ROWBLK, _DIN), lambda i: (i, 0)),
        ],
        out_specs=pl.BlockSpec((_ROWBLK, _DIN), lambda i: (i, 0)),
        out_shape=jax.ShapeDtypeStruct((_N, _DIN), jnp.float32),
    )(histp, x)


def _tc_mlp(xs, agg1, histp, W1, b1, W2p):
    def body(hp_ref, xs_ref, a_ref, w1_ref, b1_ref, w2_ref, o_ref):
        dinv = _dinv_of(hp_ref)
        aggc = jnp.concatenate([a_ref[0], a_ref[1]], axis=1)
        y = (xs_ref[...] + aggc) * dinv
        h = jnp.dot(y, w1_ref[...], preferred_element_type=jnp.float32)
        h = jnp.maximum(h + b1_ref[...], 0.0)
        p = jnp.dot(h, w2_ref[...], preferred_element_type=jnp.float32)
        o_ref[...] = p * dinv

    return pl.pallas_call(
        body,
        grid=(_GRID,),
        in_specs=[
            pl.BlockSpec((_NCORES, _ROWBLK, 128), lambda i: (0, i, 0)),
            pl.BlockSpec((_ROWBLK, _DIN), lambda i: (i, 0)),
            pl.BlockSpec((_NCORES, _ROWBLK, 128), lambda i: (0, i, 0)),
            pl.BlockSpec((_DIN, _DHID), lambda i: (0, 0)),
            pl.BlockSpec((1, _DHID), lambda i: (0, 0)),
            pl.BlockSpec((_DHID, _NPAD), lambda i: (0, 0)),
        ],
        out_specs=pl.BlockSpec((_ROWBLK, _NPAD), lambda i: (i, 0)),
        out_shape=jax.ShapeDtypeStruct((_N, _NPAD), jnp.float32),
    )(histp, xs, agg1, W1, b1, W2p)


def _tc_final(ps, agg2, histp, b2p):
    def body(hp_ref, ps_ref, a_ref, b2_ref, o_ref):
        dinv = _dinv_of(hp_ref)
        z = (ps_ref[...] + a_ref[0] + a_ref[1]) * dinv + b2_ref[...]
        col = lax.broadcasted_iota(jnp.int32, (_ROWBLK, _NPAD), 1)
        mask = col < _NCLS
        zm = jnp.where(mask, z, -jnp.inf)
        m = jnp.max(zm, axis=1, keepdims=True)
        e = jnp.where(mask, jnp.exp(z - m), 0.0)
        lse = jnp.log(jnp.sum(e, axis=1, keepdims=True))
        o_ref[...] = z - m - lse

    return pl.pallas_call(
        body,
        grid=(_GRID,),
        in_specs=[
            pl.BlockSpec((_NCORES, _ROWBLK, 128), lambda i: (0, i, 0)),
            pl.BlockSpec((_ROWBLK, _NPAD), lambda i: (i, 0)),
            pl.BlockSpec((_NCORES, _ROWBLK, _NPAD), lambda i: (0, i, 0)),
            pl.BlockSpec((1, _NPAD), lambda i: (0, 0)),
        ],
        out_specs=pl.BlockSpec((_ROWBLK, _NPAD), lambda i: (i, 0)),
        out_shape=jax.ShapeDtypeStruct((_N, _NPAD), jnp.float32),
    )(histp, ps, agg2, b2p)



def kernel(x, edge_index, W1, b1, W2, b2):
    src = edge_index[0].astype(jnp.int32)
    dst = edge_index[1].astype(jnp.int32)

    e1 = _E // _NSUB
    s1 = jnp.pad(src.reshape(_NSUB, e1), ((0, 0), (0, _A1_PER_SUB - e1)))
    d1 = jnp.pad(dst.reshape(_NSUB, e1), ((0, 0), (0, _A1_PER_SUB - e1)),
                 constant_values=_TRASH)
    wid = jnp.arange(_NCORES * _NSUB, dtype=jnp.int32)
    spread1 = 4 * (wid // _NSUB) + (wid % _NSUB) // 4
    idx1 = 8 * jnp.concatenate([s1, s1], axis=0).reshape(
        _NCORES * _NSUB, _A1_CHUNKS, _CK) + spread1[:, None, None]
    dst1 = d1.reshape(_NSUB, _A1_CHUNKS, _CK)

    e2 = _E // (_NCORES * _NSUB)
    s2 = jnp.pad(src.reshape(_NCORES * _NSUB, e2), ((0, 0), (0, _A2_PER_SUB - e2)))
    d2 = jnp.pad(dst.reshape(_NCORES * _NSUB, e2), ((0, 0), (0, _A2_PER_SUB - e2)),
                 constant_values=_TRASH)
    src2 = s2.reshape(_NCORES * _NSUB, _A2_CHUNKS, _CK)
    dst2 = d2.reshape(_NCORES * _NSUB, _A2_CHUNKS, _CK)
    idx2 = 8 * src2 + spread1[:, None, None]

    ones = jnp.ones((_CK, 128), jnp.float32)
    z128 = jnp.zeros((_NROW, 128), jnp.float32)
    W2p = jnp.pad(W2, ((0, 0), (0, _NPAD - _NCLS)))
    b2p = jnp.pad(b2, (0, _NPAD - _NCLS)).reshape(1, _NPAD)

    histp = _sc_hist(dst2, ones, z128)
    xs = _tc_scale(x, histp)
    x8 = jnp.broadcast_to(xs.reshape(_N, 2, 1, 128),
                          (_N, 2, 4, 128)).reshape(8 * _N, 128)
    agg1 = _sc_agg1(x8, idx1, dst1, z128)
    ps = _tc_mlp(xs, agg1, histp, W1, b1.reshape(1, _DHID), W2p)
    ps8 = jnp.broadcast_to(ps[:, None, :], (_N, 8, _NPAD)).reshape(8 * _N, _NPAD)
    agg2 = _sc_agg2(ps8, idx2, dst2, z128)
    zfull = _tc_final(ps, agg2, histp, b2p)
    return zfull[:, :_NCLS]

# --- scband reference (transcript-rebuilt; emitter-appended) ---
"""Pipeline reference for scband-net-50981261804020 (READ-ONLY COPY).

The authoritative reference and input builder live on the scoring server;
editing this copy changes nothing except your own understanding.
"""

import jax, jax.numpy as jnp
import numpy as np

N_NODES = 10000
N_EDGES = 160000
D_IN = 256
D_HID = 512
N_CLASSES = 40


def gcn_conv(x, src, dst, W, b, n):
    # PyG GCNConv: D^{-1/2} (A + I) D^{-1/2} X W + b, with self-loops already in (src, dst)
    xW = x @ W
    deg = jnp.zeros((n,), x.dtype).at[dst].add(jnp.ones((src.shape[0],), x.dtype))
    dinv = jax.lax.rsqrt(jnp.maximum(deg, 1e-12))
    norm = dinv[src] * dinv[dst]
    msgs = jnp.take(xW, src, axis=0) * norm[:, None]
    out = jnp.zeros((n, W.shape[1]), x.dtype).at[dst].add(msgs)
    return out + b


def setup_inputs(seed: int = 0) -> dict:
    key = jax.random.key(seed)
    k1, k2, k3, k4, k5, k6 = jax.random.split(key, 6)
    x = jax.random.normal(k1, (N_NODES, D_IN), dtype=jnp.float32)
    edge_index = jax.random.randint(k2, (2, N_EDGES), 0, N_NODES)
    W1 = jax.random.normal(k3, (D_IN, D_HID), dtype=jnp.float32) * (1.0 / np.sqrt(D_IN))
    b1 = jnp.zeros((D_HID,), dtype=jnp.float32)
    W2 = jax.random.normal(k4, (D_HID, N_CLASSES), dtype=jnp.float32) * (1.0 / np.sqrt(D_HID))
    b2 = jnp.zeros((N_CLASSES,), dtype=jnp.float32)
    return {"x": x, "edge_index": edge_index, "W1": W1, "b1": b1, "W2": W2, "b2": b2}


def reference(x, edge_index, W1, b1, W2, b2):
    n = x.shape[0]
    loops = jnp.arange(n, dtype=edge_index.dtype)
    src = jnp.concatenate([edge_index[0], loops])
    dst = jnp.concatenate([edge_index[1], loops])
    h = jax.nn.relu(gcn_conv(x, src, dst, W1, b1, n))
    # F.dropout with training=self.training is identity in eval mode
    h = gcn_conv(h, src, dst, W2, b2, n)
    return jax.nn.log_softmax(h, axis=1)

if __name__ == "__main__":
    import jax
    _d = setup_inputs()
    print(jax.jit(kernel)(*tuple(_d.values())))

</pallas_src>

<mosaic_0001>
#map = affine_map<(d0, d1) -> (0, 0)>
#map1 = affine_map<(d0, d1) -> (0, 0, 0)>
module attributes {stable_mosaic.version = 14 : i64} {
  func.func @k(%arg0: i32, %arg1: i32, %arg2: memref<80000x128xf32, #tpu.memory_space<hbm>>, %arg3: memref<32x79x128xi32, #tpu.memory_space<hbm>>, %arg4: memref<16x79x128xi32, #tpu.memory_space<hbm>>, %arg5: memref<10112x128xf32, #tpu.memory_space<hbm>>, %arg6: memref<2x10112x128xf32, #tpu.memory_space<hbm>>, %arg7: memref<79x128xi32, #tpu.memory_space<vmem>>, %arg8: memref<79x128xi32, #tpu.memory_space<vmem>>, %arg9: memref<128x128xf32, #tpu.memory_space<vmem>>, %arg10: memref<10112x128xf32, #tpu.memory_space<vmem_shared>>) attributes {dimension_semantics = [#tpu.dimension_semantics<core_parallel>, #tpu.dimension_semantics<subcore_parallel>], iteration_bounds = array<i64: 2, 16>, scalar_prefetch = 0 : i64, scratch_operands = 4 : i64, tpu.core_type = #tpu.core_type<sc_vector_subcore>, window_params = [{transform_indices = #map}, {transform_indices = #map1}, {transform_indices = #map1}, {transform_indices = #map}, {transform_indices = #map1}]} {
    %mul3A = arith.constant 16 : i32
    %mul3A_0 = arith.muli %arg0, %mul3A : i32
    %add3A = arith.addi %mul3A_0, %arg1 : i32
    %mul3A_1 = arith.constant 632 : i32
    %mul3A_2 = arith.muli %arg1, %mul3A_1 : i32
    %mul3A_3 = arith.constant 632 : i32
    %mul3A_4 = arith.muli %arg1, %mul3A_3 : i32
    "tpu.region"() ({
      %run_scoped3A = tpu.sem_alloc : memref<!tpu.dma_semaphore, #tpu.memory_space<semaphore_mem>>
      %dma_start3A = arith.constant 0 : i32
      %dma_start3A_14 = tpu.memref_slice %arg10[%mul3A_4, %dma_start3A] : memref<10112x128xf32, #tpu.memory_space<vmem_shared>> -> memref<632x128xf32, #tpu.memory_space<vmem_shared>>
      %dma_start3A_15 = arith.constant 0 : i32
      %dma_start3A_16 = tpu.memref_slice %arg5[%mul3A_2, %dma_start3A_15] : memref<10112x128xf32, #tpu.memory_space<hbm>> -> memref<632x128xf32, #tpu.memory_space<hbm>>
      tpu.enqueue_dma source(%dma_start3A_16 : memref<632x128xf32, #tpu.memory_space<hbm>>) target(%dma_start3A_14 : memref<632x128xf32, #tpu.memory_space<vmem_shared>>) target_semaphore(%run_scoped3A : memref<!tpu.dma_semaphore, #tpu.memory_space<semaphore_mem>>)
      %dma_wait3A = arith.constant 0 : i32
      %dma_wait3A_17 = tpu.memref_slice %arg10[%mul3A_4, %dma_wait3A] : memref<10112x128xf32, #tpu.memory_space<vmem_shared>> -> memref<632x128xf32, #tpu.memory_space<vmem_shared>>
      %dma_wait3A_18 = arith.constant 0 : i32
      %dma_wait3A_19 = tpu.memref_slice %arg5[%mul3A_2, %dma_wait3A_18] : memref<10112x128xf32, #tpu.memory_space<hbm>> -> memref<632x128xf32, #tpu.memory_space<hbm>>
      tpu.wait_dma2 semaphore(%run_scoped3A : memref<!tpu.dma_semaphore, #tpu.memory_space<semaphore_mem>>) src(%dma_wait3A_19 : memref<632x128xf32, #tpu.memory_space<hbm>>) dst(%dma_wait3A_17 : memref<632x128xf32, #tpu.memory_space<vmem_shared>>)
      tpu.yield
    }) : () -> ()
    "tpu.region"() ({
      %run_scoped3A = tpu.sem_alloc : memref<!tpu.dma_semaphore, #tpu.memory_space<semaphore_mem>>
      %dma_start3A = arith.constant 0 : i32
      %dma_start3A_14 = arith.constant 0 : i32
      %dma_start3A_15 = tpu.memref_slice %arg3[%add3A, %dma_start3A, %dma_start3A_14] : memref<32x79x128xi32, #tpu.memory_space<hbm>> -> memref<1x79x128xi32, #tpu.memory_space<hbm>>
      %dma_start3A_16 = tpu.memref_squeeze %dma_start3A_15 : memref<1x79x128xi32, #tpu.memory_space<hbm>> -> memref<79x128xi32, #tpu.memory_space<hbm>>
      %dma_start3A_17 = arith.constant 0 : i32
      %dma_start3A_18 = arith.constant 0 : i32
      %dma_start3A_19 = tpu.memref_slice %arg3[%add3A, %dma_start3A_17, %dma_start3A_18] : memref<32x79x128xi32, #tpu.memory_space<hbm>> -> memref<1x79x128xi32, #tpu.memory_space<hbm>>
      %dma_start3A_20 = tpu.memref_squeeze %dma_start3A_19 : memref<1x79x128xi32, #tpu.memory_space<hbm>> -> memref<79x128xi32, #tpu.memory_space<hbm>>
      tpu.enqueue_dma source(%dma_start3A_20 : memref<79x128xi32, #tpu.memory_space<hbm>>) target(%arg7 : memref<79x128xi32, #tpu.memory_space<vmem>>) target_semaphore(%run_scoped3A : memref<!tpu.dma_semaphore, #tpu.memory_space<semaphore_mem>>)
      %dma_wait3A = arith.constant 0 : i32
      %dma_wait3A_21 = arith.constant 0 : i32
      %dma_wait3A_22 = tpu.memref_slice %arg3[%add3A, %dma_wait3A, %dma_wait3A_21] : memref<32x79x128xi32, #tpu.memory_space<hbm>> -> memref<1x79x128xi32, #tpu.memory_space<hbm>>
      %dma_wait3A_23 = tpu.memref_squeeze %dma_wait3A_22 : memref<1x79x128xi32, #tpu.memory_space<hbm>> -> memref<79x128xi32, #tpu.memory_space<hbm>>
      %dma_wait3A_24 = arith.constant 0 : i32
      %dma_wait3A_25 = arith.constant 0 : i32
      %dma_wait3A_26 = tpu.memref_slice %arg3[%add3A, %dma_wait3A_24, %dma_wait3A_25] : memref<32x79x128xi32, #tpu.memory_space<hbm>> -> memref<1x79x128xi32, #tpu.memory_space<hbm>>
      %dma_wait3A_27 = tpu.memref_squeeze %dma_wait3A_26 : memref<1x79x128xi32, #tpu.memory_space<hbm>> -> memref<79x128xi32, #tpu.memory_space<hbm>>
      tpu.wait_dma2 semaphore(%run_scoped3A : memref<!tpu.dma_semaphore, #tpu.memory_space<semaphore_mem>>) src(%dma_wait3A_27 : memref<79x128xi32, #tpu.memory_space<hbm>>) dst(%arg7 : memref<79x128xi32, #tpu.memory_space<vmem>>)
      tpu.yield
    }) : () -> ()
    "tpu.region"() ({
      %run_scoped3A = tpu.sem_alloc : memref<!tpu.dma_semaphore, #tpu.memory_space<semaphore_mem>>
      %dma_start3A = arith.constant 0 : i32
      %dma_start3A_14 = arith.constant 0 : i32
      %dma_start3A_15 = tpu.memref_slice %arg4[%arg1, %dma_start3A, %dma_start3A_14] : memref<16x79x128xi32, #tpu.memory_space<hbm>> -> memref<1x79x128xi32, #tpu.memory_space<hbm>>
      %dma_start3A_16 = tpu.memref_squeeze %dma_start3A_15 : memref<1x79x128xi32, #tpu.memory_space<hbm>> -> memref<79x128xi32, #tpu.memory_space<hbm>>
      %dma_start3A_17 = arith.constant 0 : i32
      %dma_start3A_18 = arith.constant 0 : i32
      %dma_start3A_19 = tpu.memref_slice %arg4[%arg1, %dma_start3A_17, %dma_start3A_18] : memref<16x79x128xi32, #tpu.memory_space<hbm>> -> memref<1x79x128xi32, #tpu.memory_space<hbm>>
      %dma_start3A_20 = tpu.memref_squeeze %dma_start3A_19 : memref<1x79x128xi32, #tpu.memory_space<hbm>> -> memref<79x128xi32, #tpu.memory_space<hbm>>
      tpu.enqueue_dma source(%dma_start3A_20 : memref<79x128xi32, #tpu.memory_space<hbm>>) target(%arg8 : memref<79x128xi32, #tpu.memory_space<vmem>>) target_semaphore(%run_scoped3A : memref<!tpu.dma_semaphore, #tpu.memory_space<semaphore_mem>>)
      %dma_wait3A = arith.constant 0 : i32
      %dma_wait3A_21 = arith.constant 0 : i32
      %dma_wait3A_22 = tpu.memref_slice %arg4[%arg1, %dma_wait3A, %dma_wait3A_21] : memref<16x79x128xi32, #tpu.memory_space<hbm>> -> memref<1x79x128xi32, #tpu.memory_space<hbm>>
      %dma_wait3A_23 = tpu.memref_squeeze %dma_wait3A_22 : memref<1x79x128xi32, #tpu.memory_space<hbm>> -> memref<79x128xi32, #tpu.memory_space<hbm>>
      %dma_wait3A_24 = arith.constant 0 : i32
      %dma_wait3A_25 = arith.constant 0 : i32
      %dma_wait3A_26 = tpu.memref_slice %arg4[%arg1, %dma_wait3A_24, %dma_wait3A_25] : memref<16x79x128xi32, #tpu.memory_space<hbm>> -> memref<1x79x128xi32, #tpu.memory_space<hbm>>
      %dma_wait3A_27 = tpu.memref_squeeze %dma_wait3A_26 : memref<1x79x128xi32, #tpu.memory_space<hbm>> -> memref<79x128xi32, #tpu.memory_space<hbm>>
      tpu.wait_dma2 semaphore(%run_scoped3A : memref<!tpu.dma_semaphore, #tpu.memory_space<semaphore_mem>>) src(%dma_wait3A_27 : memref<79x128xi32, #tpu.memory_space<hbm>>) dst(%arg8 : memref<79x128xi32, #tpu.memory_space<vmem>>)
      tpu.yield
    }) : () -> ()
    %barrier3A = arith.constant 0 : index
    tpu.barrier barrier_id(%barrier3A)
    %scan3A = arith.constant 0 : i32
    %scan3A_5 = arith.constant 79 : i32
    %scan3A_6 = arith.addi %scan3A, %scan3A_5 : i32
    %scan3A_7 = arith.constant 1 : i32
    scf.for %scan3A_14 = %scan3A to %scan3A_6 step %scan3A_7  : i32 {
      %mul3A_15 = arith.constant 1 : i32
      %mul3A_16 = arith.muli %scan3A_14, %mul3A_15 : i32
      %add3A_17 = arith.constant 0 : i32
      %add3A_18 = arith.addi %add3A_17, %mul3A_16 : i32
      "tpu.region"() ({
        %run_scoped3A = tpu.sem_alloc : memref<!tpu.dma_semaphore, #tpu.memory_space<semaphore_mem>>
        %dma_start3A = arith.constant 0 : i32
        %dma_start3A_19 = tpu.memref_slice %arg7[%add3A_18, %dma_start3A] : memref<79x128xi32, #tpu.memory_space<vmem>> -> memref<1x128xi32, #tpu.memory_space<vmem>>
        %dma_start3A_20 = tpu.memref_squeeze %dma_start3A_19 : memref<1x128xi32, #tpu.memory_space<vmem>> -> memref<128xi32, #tpu.memory_space<vmem>>
        %dma_start3A_21 = arith.constant 0 : i32
        %dma_start3A_22 = arith.constant 0 : i32
        %dma_start3A_23 = tpu.memref_slice %arg2[%dma_start3A_21, %dma_start3A_22] : memref<80000x128xf32, #tpu.memory_space<hbm>> -> memref<80000x128xf32, #tpu.memory_space<hbm>>
        tpu.enqueue_indirect_dma source(%dma_start3A_23 : memref<80000x128xf32, #tpu.memory_space<hbm>>) target(%arg9 : memref<128x128xf32, #tpu.memory_space<vmem>>) offsets(%dma_start3A_20 : memref<128xi32, #tpu.memory_space<vmem>>) semaphore(%run_scoped3A : memref<!tpu.dma_semaphore, #tpu.memory_space<semaphore_mem>>)
        %dma_wait3A = arith.constant 0 : i32
        %dma_wait3A_24 = tpu.memref_slice %arg7[%add3A_18, %dma_wait3A] : memref<79x128xi32, #tpu.memory_space<vmem>> -> memref<1x128xi32, #tpu.memory_space<vmem>>
        %dma_wait3A_25 = tpu.memref_squeeze %dma_wait3A_24 : memref<1x128xi32, #tpu.memory_space<vmem>> -> memref<128xi32, #tpu.memory_space<vmem>>
        %dma_wait3A_26 = arith.constant 0 : i32
        %dma_wait3A_27 = arith.constant 0 : i32
        %dma_wait3A_28 = tpu.memref_slice %arg2[%dma_wait3A_26, %dma_wait3A_27] : memref<80000x128xf32, #tpu.memory_space<hbm>> -> memref<80000x128xf32, #tpu.memory_space<hbm>>
        tpu.wait_indirect_dma semaphore(%run_scoped3A : memref<!tpu.dma_semaphore, #tpu.memory_space<semaphore_mem>>) src(%dma_wait3A_28 : memref<80000x128xf32, #tpu.memory_space<hbm>>) dst(%arg9 : memref<128x128xf32, #tpu.memory_space<vmem>>)
        tpu.yield
      }) : () -> ()
      "tpu.region"() ({
        %run_scoped3A = tpu.sem_alloc : memref<!tpu.dma_semaphore, #tpu.memory_space<semaphore_mem>>
        %dma_start3A = arith.constant 0 : i32
        %dma_start3A_19 = tpu.memref_slice %arg8[%add3A_18, %dma_start3A] : memref<79x128xi32, #tpu.memory_space<vmem>> -> memref<1x128xi32, #tpu.memory_space<vmem>>
        %dma_start3A_20 = tpu.memref_squeeze %dma_start3A_19 : memref<1x128xi32, #tpu.memory_space<vmem>> -> memref<128xi32, #tpu.memory_space<vmem>>
        %dma_start3A_21 = arith.constant 0 : i32
        %dma_start3A_22 = arith.constant 0 : i32
        %dma_start3A_23 = tpu.memref_slice %arg10[%dma_start3A_21, %dma_start3A_22] : memref<10112x128xf32, #tpu.memory_space<vmem_shared>> -> memref<10112x128xf32, #tpu.memory_space<vmem_shared>>
        tpu.enqueue_indirect_dma source(%arg9 : memref<128x128xf32, #tpu.memory_space<vmem>>) target(%dma_start3A_23 : memref<10112x128xf32, #tpu.memory_space<vmem_shared>>) offsets(%dma_start3A_20 : memref<128xi32, #tpu.memory_space<vmem>>) semaphore(%run_scoped3A : memref<!tpu.dma_semaphore, #tpu.memory_space<semaphore_mem>>) {add = true}
        %dma_wait3A = arith.constant 0 : i32
        %dma_wait3A_24 = tpu.memref_slice %arg8[%add3A_18, %dma_wait3A] : memref<79x128xi32, #tpu.memory_space<vmem>> -> memref<1x128xi32, #tpu.memory_space<vmem>>
        %dma_wait3A_25 = tpu.memref_squeeze %dma_wait3A_24 : memref<1x128xi32, #tpu.memory_space<vmem>> -> memref<128xi32, #tpu.memory_space<vmem>>
        %dma_wait3A_26 = arith.constant 0 : i32
        %dma_wait3A_27 = arith.constant 0 : i32
        %dma_wait3A_28 = tpu.memref_slice %arg10[%dma_wait3A_26, %dma_wait3A_27] : memref<10112x128xf32, #tpu.memory_space<vmem_shared>> -> memref<10112x128xf32, #tpu.memory_space<vmem_shared>>
        tpu.wait_indirect_dma semaphore(%run_scoped3A : memref<!tpu.dma_semaphore, #tpu.memory_space<semaphore_mem>>) src(%arg9 : memref<128x128xf32, #tpu.memory_space<vmem>>) dst(%dma_wait3A_28 : memref<10112x128xf32, #tpu.memory_space<vmem_shared>>)
        tpu.yield
      }) : () -> ()
    }
    %scan3A_8 = arith.constant 79 : i32
    %barrier3A_9 = arith.constant 0 : index
    tpu.barrier barrier_id(%barrier3A_9)
    %mul3A_10 = arith.constant 632 : i32
    %mul3A_11 = arith.muli %arg1, %mul3A_10 : i32
    %mul3A_12 = arith.constant 632 : i32
    %mul3A_13 = arith.muli %arg1, %mul3A_12 : i32
    "tpu.region"() ({
      %run_scoped3A = tpu.sem_alloc : memref<!tpu.dma_semaphore, #tpu.memory_space<semaphore_mem>>
      %dma_start3A = arith.constant 0 : i32
      %dma_start3A_14 = tpu.memref_slice %arg6[%arg0, %mul3A_13, %dma_start3A] : memref<2x10112x128xf32, #tpu.memory_space<hbm>> -> memref<1x632x128xf32, #tpu.memory_space<hbm>>
      %dma_start3A_15 = tpu.memref_squeeze %dma_start3A_14 : memref<1x632x128xf32, #tpu.memory_space<hbm>> -> memref<632x128xf32, #tpu.memory_space<hbm>>
      %dma_start3A_16 = arith.constant 0 : i32
      %dma_start3A_17 = tpu.memref_slice %arg10[%mul3A_11, %dma_start3A_16] : memref<10112x128xf32, #tpu.memory_space<vmem_shared>> -> memref<632x128xf32, #tpu.memory_space<vmem_shared>>
      tpu.enqueue_dma source(%dma_start3A_17 : memref<632x128xf32, #tpu.memory_space<vmem_shared>>) target(%dma_start3A_15 : memref<632x128xf32, #tpu.memory_space<hbm>>) target_semaphore(%run_scoped3A : memref<!tpu.dma_semaphore, #tpu.memory_space<semaphore_mem>>)
      %dma_wait3A = arith.constant 0 : i32
      %dma_wait3A_18 = tpu.memref_slice %arg6[%arg0, %mul3A_13, %dma_wait3A] : memref<2x10112x128xf32, #tpu.memory_space<hbm>> -> memref<1x632x128xf32, #tpu.memory_space<hbm>>
      %dma_wait3A_19 = tpu.memref_squeeze %dma_wait3A_18 : memref<1x632x128xf32, #tpu.memory_space<hbm>> -> memref<632x128xf32, #tpu.memory_space<hbm>>
      %dma_wait3A_20 = arith.constant 0 : i32
      %dma_wait3A_21 = tpu.memref_slice %arg10[%mul3A_11, %dma_wait3A_20] : memref<10112x128xf32, #tpu.memory_space<vmem_shared>> -> memref<632x128xf32, #tpu.memory_space<vmem_shared>>
      tpu.wait_dma2 semaphore(%run_scoped3A : memref<!tpu.dma_semaphore, #tpu.memory_space<semaphore_mem>>) src(%dma_wait3A_21 : memref<632x128xf32, #tpu.memory_space<vmem_shared>>) dst(%dma_wait3A_19 : memref<632x128xf32, #tpu.memory_space<hbm>>)
      tpu.yield
    }) : () -> ()
    return
  }
}

#map = affine_map<(d0, d1) -> (0, 0, 0)>
#map1 = affine_map<(d0, d1) -> (0, 0)>
module attributes {stable_mosaic.version = 14 : i64} {
  func.func @k(%arg0: i32, %arg1: i32, %arg2: memref<32x40x128xi32, #tpu.memory_space<hbm>>, %arg3: memref<128x128xf32, #tpu.memory_space<hbm>>, %arg4: memref<10112x128xf32, #tpu.memory_space<hbm>>, %arg5: memref<2x10112x128xf32, #tpu.memory_space<hbm>>, %arg6: memref<40x128xi32, #tpu.memory_space<vmem>>, %arg7: memref<128x128xf32, #tpu.memory_space<vmem>>, %arg8: memref<10112x128xf32, #tpu.memory_space<vmem_shared>>) attributes {dimension_semantics = [#tpu.dimension_semantics<core_parallel>, #tpu.dimension_semantics<subcore_parallel>], iteration_bounds = array<i64: 2, 16>, scalar_prefetch = 0 : i64, scratch_operands = 3 : i64, tpu.core_type = #tpu.core_type<sc_vector_subcore>, window_params = [{transform_indices = #map}, {transform_indices = #map1}, {transform_indices = #map1}, {transform_indices = #map}]} {
    %mul3A = arith.constant 16 : i32
    %mul3A_0 = arith.muli %arg0, %mul3A : i32
    %add3A = arith.addi %mul3A_0, %arg1 : i32
    %mul3A_1 = arith.constant 632 : i32
    %mul3A_2 = arith.muli %arg1, %mul3A_1 : i32
    %mul3A_3 = arith.constant 632 : i32
    %mul3A_4 = arith.muli %arg1, %mul3A_3 : i32
    "tpu.region"() ({
      %run_scoped3A = tpu.sem_alloc : memref<!tpu.dma_semaphore, #tpu.memory_space<semaphore_mem>>
      %dma_start3A = arith.constant 0 : i32
      %dma_start3A_14 = tpu.memref_slice %arg8[%mul3A_4, %dma_start3A] : memref<10112x128xf32, #tpu.memory_space<vmem_shared>> -> memref<632x128xf32, #tpu.memory_space<vmem_shared>>
      %dma_start3A_15 = arith.constant 0 : i32
      %dma_start3A_16 = tpu.memref_slice %arg4[%mul3A_2, %dma_start3A_15] : memref<10112x128xf32, #tpu.memory_space<hbm>> -> memref<632x128xf32, #tpu.memory_space<hbm>>
      tpu.enqueue_dma source(%dma_start3A_16 : memref<632x128xf32, #tpu.memory_space<hbm>>) target(%dma_start3A_14 : memref<632x128xf32, #tpu.memory_space<vmem_shared>>) target_semaphore(%run_scoped3A : memref<!tpu.dma_semaphore, #tpu.memory_space<semaphore_mem>>)
      %dma_wait3A = arith.constant 0 : i32
      %dma_wait3A_17 = tpu.memref_slice %arg8[%mul3A_4, %dma_wait3A] : memref<10112x128xf32, #tpu.memory_space<vmem_shared>> -> memref<632x128xf32, #tpu.memory_space<vmem_shared>>
      %dma_wait3A_18 = arith.constant 0 : i32
      %dma_wait3A_19 = tpu.memref_slice %arg4[%mul3A_2, %dma_wait3A_18] : memref<10112x128xf32, #tpu.memory_space<hbm>> -> memref<632x128xf32, #tpu.memory_space<hbm>>
      tpu.wait_dma2 semaphore(%run_scoped3A : memref<!tpu.dma_semaphore, #tpu.memory_space<semaphore_mem>>) src(%dma_wait3A_19 : memref<632x128xf32, #tpu.memory_space<hbm>>) dst(%dma_wait3A_17 : memref<632x128xf32, #tpu.memory_space<vmem_shared>>)
      tpu.yield
    }) : () -> ()
    "tpu.region"() ({
      %run_scoped3A = tpu.sem_alloc : memref<!tpu.dma_semaphore, #tpu.memory_space<semaphore_mem>>
      %dma_start3A = arith.constant 0 : i32
      %dma_start3A_14 = arith.constant 0 : i32
      %dma_start3A_15 = tpu.memref_slice %arg2[%add3A, %dma_start3A, %dma_start3A_14] : memref<32x40x128xi32, #tpu.memory_space<hbm>> -> memref<1x40x128xi32, #tpu.memory_space<hbm>>
      %dma_start3A_16 = tpu.memref_squeeze %dma_start3A_15 : memref<1x40x128xi32, #tpu.memory_space<hbm>> -> memref<40x128xi32, #tpu.memory_space<hbm>>
      %dma_start3A_17 = arith.constant 0 : i32
      %dma_start3A_18 = arith.constant 0 : i32
      %dma_start3A_19 = tpu.memref_slice %arg2[%add3A, %dma_start3A_17, %dma_start3A_18] : memref<32x40x128xi32, #tpu.memory_space<hbm>> -> memref<1x40x128xi32, #tpu.memory_space<hbm>>
      %dma_start3A_20 = tpu.memref_squeeze %dma_start3A_19 : memref<1x40x128xi32, #tpu.memory_space<hbm>> -> memref<40x128xi32, #tpu.memory_space<hbm>>
      tpu.enqueue_dma source(%dma_start3A_20 : memref<40x128xi32, #tpu.memory_space<hbm>>) target(%arg6 : memref<40x128xi32, #tpu.memory_space<vmem>>) target_semaphore(%run_scoped3A : memref<!tpu.dma_semaphore, #tpu.memory_space<semaphore_mem>>)
      %dma_wait3A = arith.constant 0 : i32
      %dma_wait3A_21 = arith.constant 0 : i32
      %dma_wait3A_22 = tpu.memref_slice %arg2[%add3A, %dma_wait3A, %dma_wait3A_21] : memref<32x40x128xi32, #tpu.memory_space<hbm>> -> memref<1x40x128xi32, #tpu.memory_space<hbm>>
      %dma_wait3A_23 = tpu.memref_squeeze %dma_wait3A_22 : memref<1x40x128xi32, #tpu.memory_space<hbm>> -> memref<40x128xi32, #tpu.memory_space<hbm>>
      %dma_wait3A_24 = arith.constant 0 : i32
      %dma_wait3A_25 = arith.constant 0 : i32
      %dma_wait3A_26 = tpu.memref_slice %arg2[%add3A, %dma_wait3A_24, %dma_wait3A_25] : memref<32x40x128xi32, #tpu.memory_space<hbm>> -> memref<1x40x128xi32, #tpu.memory_space<hbm>>
      %dma_wait3A_27 = tpu.memref_squeeze %dma_wait3A_26 : memref<1x40x128xi32, #tpu.memory_space<hbm>> -> memref<40x128xi32, #tpu.memory_space<hbm>>
      tpu.wait_dma2 semaphore(%run_scoped3A : memref<!tpu.dma_semaphore, #tpu.memory_space<semaphore_mem>>) src(%dma_wait3A_27 : memref<40x128xi32, #tpu.memory_space<hbm>>) dst(%arg6 : memref<40x128xi32, #tpu.memory_space<vmem>>)
      tpu.yield
    }) : () -> ()
    "tpu.region"() ({
      %run_scoped3A = tpu.sem_alloc : memref<!tpu.dma_semaphore, #tpu.memory_space<semaphore_mem>>
      tpu.enqueue_dma source(%arg3 : memref<128x128xf32, #tpu.memory_space<hbm>>) target(%arg7 : memref<128x128xf32, #tpu.memory_space<vmem>>) target_semaphore(%run_scoped3A : memref<!tpu.dma_semaphore, #tpu.memory_space<semaphore_mem>>)
      tpu.wait_dma2 semaphore(%run_scoped3A : memref<!tpu.dma_semaphore, #tpu.memory_space<semaphore_mem>>) src(%arg3 : memref<128x128xf32, #tpu.memory_space<hbm>>) dst(%arg7 : memref<128x128xf32, #tpu.memory_space<vmem>>)
      tpu.yield
    }) : () -> ()
    %barrier3A = arith.constant 0 : index
    tpu.barrier barrier_id(%barrier3A)
    %scan3A = arith.constant 0 : i32
    %scan3A_5 = arith.constant 40 : i32
    %scan3A_6 = arith.addi %scan3A, %scan3A_5 : i32
    %scan3A_7 = arith.constant 1 : i32
    scf.for %scan3A_14 = %scan3A to %scan3A_6 step %scan3A_7  : i32 {
      %mul3A_15 = arith.constant 1 : i32
      %mul3A_16 = arith.muli %scan3A_14, %mul3A_15 : i32
      %add3A_17 = arith.constant 0 : i32
      %add3A_18 = arith.addi %add3A_17, %mul3A_16 : i32
      "tpu.region"() ({
        %run_scoped3A = tpu.sem_alloc : memref<!tpu.dma_semaphore, #tpu.memory_space<semaphore_mem>>
        %dma_start3A = arith.constant 0 : i32
        %dma_start3A_19 = tpu.memref_slice %arg6[%add3A_18, %dma_start3A] : memref<40x128xi32, #tpu.memory_space<vmem>> -> memref<1x128xi32, #tpu.memory_space<vmem>>
        %dma_start3A_20 = tpu.memref_squeeze %dma_start3A_19 : memref<1x128xi32, #tpu.memory_space<vmem>> -> memref<128xi32, #tpu.memory_space<vmem>>
        %dma_start3A_21 = arith.constant 0 : i32
        %dma_start3A_22 = arith.constant 0 : i32
        %dma_start3A_23 = tpu.memref_slice %arg8[%dma_start3A_21, %dma_start3A_22] : memref<10112x128xf32, #tpu.memory_space<vmem_shared>> -> memref<10112x128xf32, #tpu.memory_space<vmem_shared>>
        tpu.enqueue_indirect_dma source(%arg7 : memref<128x128xf32, #tpu.memory_space<vmem>>) target(%dma_start3A_23 : memref<10112x128xf32, #tpu.memory_space<vmem_shared>>) offsets(%dma_start3A_20 : memref<128xi32, #tpu.memory_space<vmem>>) semaphore(%run_scoped3A : memref<!tpu.dma_semaphore, #tpu.memory_space<semaphore_mem>>) {add = true}
        %dma_wait3A = arith.constant 0 : i32
        %dma_wait3A_24 = tpu.memref_slice %arg6[%add3A_18, %dma_wait3A] : memref<40x128xi32, #tpu.memory_space<vmem>> -> memref<1x128xi32, #tpu.memory_space<vmem>>
        %dma_wait3A_25 = tpu.memref_squeeze %dma_wait3A_24 : memref<1x128xi32, #tpu.memory_space<vmem>> -> memref<128xi32, #tpu.memory_space<vmem>>
        %dma_wait3A_26 = arith.constant 0 : i32
        %dma_wait3A_27 = arith.constant 0 : i32
        %dma_wait3A_28 = tpu.memref_slice %arg8[%dma_wait3A_26, %dma_wait3A_27] : memref<10112x128xf32, #tpu.memory_space<vmem_shared>> -> memref<10112x128xf32, #tpu.memory_space<vmem_shared>>
        tpu.wait_indirect_dma semaphore(%run_scoped3A : memref<!tpu.dma_semaphore, #tpu.memory_space<semaphore_mem>>) src(%arg7 : memref<128x128xf32, #tpu.memory_space<vmem>>) dst(%dma_wait3A_28 : memref<10112x128xf32, #tpu.memory_space<vmem_shared>>)
        tpu.yield
      }) : () -> ()
    }
    %scan3A_8 = arith.constant 40 : i32
    %barrier3A_9 = arith.constant 0 : index
    tpu.barrier barrier_id(%barrier3A_9)
    %mul3A_10 = arith.constant 632 : i32
    %mul3A_11 = arith.muli %arg1, %mul3A_10 : i32
    %mul3A_12 = arith.constant 632 : i32
    %mul3A_13 = arith.muli %arg1, %mul3A_12 : i32
    "tpu.region"() ({
      %run_scoped3A = tpu.sem_alloc : memref<!tpu.dma_semaphore, #tpu.memory_space<semaphore_mem>>
      %dma_start3A = arith.constant 0 : i32
      %dma_start3A_14 = tpu.memref_slice %arg5[%arg0, %mul3A_13, %dma_start3A] : memref<2x10112x128xf32, #tpu.memory_space<hbm>> -> memref<1x632x128xf32, #tpu.memory_space<hbm>>
      %dma_start3A_15 = tpu.memref_squeeze %dma_start3A_14 : memref<1x632x128xf32, #tpu.memory_space<hbm>> -> memref<632x128xf32, #tpu.memory_space<hbm>>
      %dma_start3A_16 = arith.constant 0 : i32
      %dma_start3A_17 = tpu.memref_slice %arg8[%mul3A_11, %dma_start3A_16] : memref<10112x128xf32, #tpu.memory_space<vmem_shared>> -> memref<632x128xf32, #tpu.memory_space<vmem_shared>>
      tpu.enqueue_dma source(%dma_start3A_17 : memref<632x128xf32, #tpu.memory_space<vmem_shared>>) target(%dma_start3A_15 : memref<632x128xf32, #tpu.memory_space<hbm>>) target_semaphore(%run_scoped3A : memref<!tpu.dma_semaphore, #tpu.memory_space<semaphore_mem>>)
      %dma_wait3A = arith.constant 0 : i32
      %dma_wait3A_18 = tpu.memref_slice %arg5[%arg0, %mul3A_13, %dma_wait3A] : memref<2x10112x128xf32, #tpu.memory_space<hbm>> -> memref<1x632x128xf32, #tpu.memory_space<hbm>>
      %dma_wait3A_19 = tpu.memref_squeeze %dma_wait3A_18 : memref<1x632x128xf32, #tpu.memory_space<hbm>> -> memref<632x128xf32, #tpu.memory_space<hbm>>
      %dma_wait3A_20 = arith.constant 0 : i32
      %dma_wait3A_21 = tpu.memref_slice %arg8[%mul3A_11, %dma_wait3A_20] : memref<10112x128xf32, #tpu.memory_space<vmem_shared>> -> memref<632x128xf32, #tpu.memory_space<vmem_shared>>
      tpu.wait_dma2 semaphore(%run_scoped3A : memref<!tpu.dma_semaphore, #tpu.memory_space<semaphore_mem>>) src(%dma_wait3A_21 : memref<632x128xf32, #tpu.memory_space<vmem_shared>>) dst(%dma_wait3A_19 : memref<632x128xf32, #tpu.memory_space<hbm>>)
      tpu.yield
    }) : () -> ()
    return
  }
}

#map = affine_map<(d0, d1) -> (0, 0)>
#map1 = affine_map<(d0, d1) -> (0, 0, 0)>
module attributes {stable_mosaic.version = 14 : i64} {
  func.func @k(%arg0: i32, %arg1: i32, %arg2: memref<80000x128xf32, #tpu.memory_space<hbm>>, %arg3: memref<32x40x128xi32, #tpu.memory_space<hbm>>, %arg4: memref<32x40x128xi32, #tpu.memory_space<hbm>>, %arg5: memref<10112x128xf32, #tpu.memory_space<hbm>>, %arg6: memref<2x10112x128xf32, #tpu.memory_space<hbm>>, %arg7: memref<40x128xi32, #tpu.memory_space<vmem>>, %arg8: memref<40x128xi32, #tpu.memory_space<vmem>>, %arg9: memref<128x128xf32, #tpu.memory_space<vmem>>, %arg10: memref<10112x128xf32, #tpu.memory_space<vmem_shared>>) attributes {dimension_semantics = [#tpu.dimension_semantics<core_parallel>, #tpu.dimension_semantics<subcore_parallel>], iteration_bounds = array<i64: 2, 16>, scalar_prefetch = 0 : i64, scratch_operands = 4 : i64, tpu.core_type = #tpu.core_type<sc_vector_subcore>, window_params = [{transform_indices = #map}, {transform_indices = #map1}, {transform_indices = #map1}, {transform_indices = #map}, {transform_indices = #map1}]} {
    %mul3A = arith.constant 16 : i32
    %mul3A_0 = arith.muli %arg0, %mul3A : i32
    %add3A = arith.addi %mul3A_0, %arg1 : i32
    %mul3A_1 = arith.constant 632 : i32
    %mul3A_2 = arith.muli %arg1, %mul3A_1 : i32
    %mul3A_3 = arith.constant 632 : i32
    %mul3A_4 = arith.muli %arg1, %mul3A_3 : i32
    "tpu.region"() ({
      %run_scoped3A = tpu.sem_alloc : memref<!tpu.dma_semaphore, #tpu.memory_space<semaphore_mem>>
      %dma_start3A = arith.constant 0 : i32
      %dma_start3A_14 = tpu.memref_slice %arg10[%mul3A_4, %dma_start3A] : memref<10112x128xf32, #tpu.memory_space<vmem_shared>> -> memref<632x128xf32, #tpu.memory_space<vmem_shared>>
      %dma_start3A_15 = arith.constant 0 : i32
      %dma_start3A_16 = tpu.memref_slice %arg5[%mul3A_2, %dma_start3A_15] : memref<10112x128xf32, #tpu.memory_space<hbm>> -> memref<632x128xf32, #tpu.memory_space<hbm>>
      tpu.enqueue_dma source(%dma_start3A_16 : memref<632x128xf32, #tpu.memory_space<hbm>>) target(%dma_start3A_14 : memref<632x128xf32, #tpu.memory_space<vmem_shared>>) target_semaphore(%run_scoped3A : memref<!tpu.dma_semaphore, #tpu.memory_space<semaphore_mem>>)
      %dma_wait3A = arith.constant 0 : i32
      %dma_wait3A_17 = tpu.memref_slice %arg10[%mul3A_4, %dma_wait3A] : memref<10112x128xf32, #tpu.memory_space<vmem_shared>> -> memref<632x128xf32, #tpu.memory_space<vmem_shared>>
      %dma_wait3A_18 = arith.constant 0 : i32
      %dma_wait3A_19 = tpu.memref_slice %arg5[%mul3A_2, %dma_wait3A_18] : memref<10112x128xf32, #tpu.memory_space<hbm>> -> memref<632x128xf32, #tpu.memory_space<hbm>>
      tpu.wait_dma2 semaphore(%run_scoped3A : memref<!tpu.dma_semaphore, #tpu.memory_space<semaphore_mem>>) src(%dma_wait3A_19 : memref<632x128xf32, #tpu.memory_space<hbm>>) dst(%dma_wait3A_17 : memref<632x128xf32, #tpu.memory_space<vmem_shared>>)
      tpu.yield
    }) : () -> ()
    "tpu.region"() ({
      %run_scoped3A = tpu.sem_alloc : memref<!tpu.dma_semaphore, #tpu.memory_space<semaphore_mem>>
      %dma_start3A = arith.constant 0 : i32
      %dma_start3A_14 = arith.constant 0 : i32
      %dma_start3A_15 = tpu.memref_slice %arg3[%add3A, %dma_start3A, %dma_start3A_14] : memref<32x40x128xi32, #tpu.memory_space<hbm>> -> memref<1x40x128xi32, #tpu.memory_space<hbm>>
      %dma_start3A_16 = tpu.memref_squeeze %dma_start3A_15 : memref<1x40x128xi32, #tpu.memory_space<hbm>> -> memref<40x128xi32, #tpu.memory_space<hbm>>
      %dma_start3A_17 = arith.constant 0 : i32
      %dma_start3A_18 = arith.constant 0 : i32
      %dma_start3A_19 = tpu.memref_slice %arg3[%add3A, %dma_start3A_17, %dma_start3A_18] : memref<32x40x128xi32, #tpu.memory_space<hbm>> -> memref<1x40x128xi32, #tpu.memory_space<hbm>>
      %dma_start3A_20 = tpu.memref_squeeze %dma_start3A_19 : memref<1x40x128xi32, #tpu.memory_space<hbm>> -> memref<40x128xi32, #tpu.memory_space<hbm>>
      tpu.enqueue_dma source(%dma_start3A_20 : memref<40x128xi32, #tpu.memory_space<hbm>>) target(%arg7 : memref<40x128xi32, #tpu.memory_space<vmem>>) target_semaphore(%run_scoped3A : memref<!tpu.dma_semaphore, #tpu.memory_space<semaphore_mem>>)
      %dma_wait3A = arith.constant 0 : i32
      %dma_wait3A_21 = arith.constant 0 : i32
      %dma_wait3A_22 = tpu.memref_slice %arg3[%add3A, %dma_wait3A, %dma_wait3A_21] : memref<32x40x128xi32, #tpu.memory_space<hbm>> -> memref<1x40x128xi32, #tpu.memory_space<hbm>>
      %dma_wait3A_23 = tpu.memref_squeeze %dma_wait3A_22 : memref<1x40x128xi32, #tpu.memory_space<hbm>> -> memref<40x128xi32, #tpu.memory_space<hbm>>
      %dma_wait3A_24 = arith.constant 0 : i32
      %dma_wait3A_25 = arith.constant 0 : i32
      %dma_wait3A_26 = tpu.memref_slice %arg3[%add3A, %dma_wait3A_24, %dma_wait3A_25] : memref<32x40x128xi32, #tpu.memory_space<hbm>> -> memref<1x40x128xi32, #tpu.memory_space<hbm>>
      %dma_wait3A_27 = tpu.memref_squeeze %dma_wait3A_26 : memref<1x40x128xi32, #tpu.memory_space<hbm>> -> memref<40x128xi32, #tpu.memory_space<hbm>>
      tpu.wait_dma2 semaphore(%run_scoped3A : memref<!tpu.dma_semaphore, #tpu.memory_space<semaphore_mem>>) src(%dma_wait3A_27 : memref<40x128xi32, #tpu.memory_space<hbm>>) dst(%arg7 : memref<40x128xi32, #tpu.memory_space<vmem>>)
      tpu.yield
    }) : () -> ()
    "tpu.region"() ({
      %run_scoped3A = tpu.sem_alloc : memref<!tpu.dma_semaphore, #tpu.memory_space<semaphore_mem>>
      %dma_start3A = arith.constant 0 : i32
      %dma_start3A_14 = arith.constant 0 : i32
      %dma_start3A_15 = tpu.memref_slice %arg4[%add3A, %dma_start3A, %dma_start3A_14] : memref<32x40x128xi32, #tpu.memory_space<hbm>> -> memref<1x40x128xi32, #tpu.memory_space<hbm>>
      %dma_start3A_16 = tpu.memref_squeeze %dma_start3A_15 : memref<1x40x128xi32, #tpu.memory_space<hbm>> -> memref<40x128xi32, #tpu.memory_space<hbm>>
      %dma_start3A_17 = arith.constant 0 : i32
      %dma_start3A_18 = arith.constant 0 : i32
      %dma_start3A_19 = tpu.memref_slice %arg4[%add3A, %dma_start3A_17, %dma_start3A_18] : memref<32x40x128xi32, #tpu.memory_space<hbm>> -> memref<1x40x128xi32, #tpu.memory_space<hbm>>
      %dma_start3A_20 = tpu.memref_squeeze %dma_start3A_19 : memref<1x40x128xi32, #tpu.memory_space<hbm>> -> memref<40x128xi32, #tpu.memory_space<hbm>>
      tpu.enqueue_dma source(%dma_start3A_20 : memref<40x128xi32, #tpu.memory_space<hbm>>) target(%arg8 : memref<40x128xi32, #tpu.memory_space<vmem>>) target_semaphore(%run_scoped3A : memref<!tpu.dma_semaphore, #tpu.memory_space<semaphore_mem>>)
      %dma_wait3A = arith.constant 0 : i32
      %dma_wait3A_21 = arith.constant 0 : i32
      %dma_wait3A_22 = tpu.memref_slice %arg4[%add3A, %dma_wait3A, %dma_wait3A_21] : memref<32x40x128xi32, #tpu.memory_space<hbm>> -> memref<1x40x128xi32, #tpu.memory_space<hbm>>
      %dma_wait3A_23 = tpu.memref_squeeze %dma_wait3A_22 : memref<1x40x128xi32, #tpu.memory_space<hbm>> -> memref<40x128xi32, #tpu.memory_space<hbm>>
      %dma_wait3A_24 = arith.constant 0 : i32
      %dma_wait3A_25 = arith.constant 0 : i32
      %dma_wait3A_26 = tpu.memref_slice %arg4[%add3A, %dma_wait3A_24, %dma_wait3A_25] : memref<32x40x128xi32, #tpu.memory_space<hbm>> -> memref<1x40x128xi32, #tpu.memory_space<hbm>>
      %dma_wait3A_27 = tpu.memref_squeeze %dma_wait3A_26 : memref<1x40x128xi32, #tpu.memory_space<hbm>> -> memref<40x128xi32, #tpu.memory_space<hbm>>
      tpu.wait_dma2 semaphore(%run_scoped3A : memref<!tpu.dma_semaphore, #tpu.memory_space<semaphore_mem>>) src(%dma_wait3A_27 : memref<40x128xi32, #tpu.memory_space<hbm>>) dst(%arg8 : memref<40x128xi32, #tpu.memory_space<vmem>>)
      tpu.yield
    }) : () -> ()
    %barrier3A = arith.constant 0 : index
    tpu.barrier barrier_id(%barrier3A)
    %scan3A = arith.constant 0 : i32
    %scan3A_5 = arith.constant 40 : i32
    %scan3A_6 = arith.addi %scan3A, %scan3A_5 : i32
    %scan3A_7 = arith.constant 1 : i32
    scf.for %scan3A_14 = %scan3A to %scan3A_6 step %scan3A_7  : i32 {
      %mul3A_15 = arith.constant 1 : i32
      %mul3A_16 = arith.muli %scan3A_14, %mul3A_15 : i32
      %add3A_17 = arith.constant 0 : i32
      %add3A_18 = arith.addi %add3A_17, %mul3A_16 : i32
      "tpu.region"() ({
        %run_scoped3A = tpu.sem_alloc : memref<!tpu.dma_semaphore, #tpu.memory_space<semaphore_mem>>
        %dma_start3A = arith.constant 0 : i32
        %dma_start3A_19 = tpu.memref_slice %arg7[%add3A_18, %dma_start3A] : memref<40x128xi32, #tpu.memory_space<vmem>> -> memref<1x128xi32, #tpu.memory_space<vmem>>
        %dma_start3A_20 = tpu.memref_squeeze %dma_start3A_19 : memref<1x128xi32, #tpu.memory_space<vmem>> -> memref<128xi32, #tpu.memory_space<vmem>>
        %dma_start3A_21 = arith.constant 0 : i32
        %dma_start3A_22 = arith.constant 0 : i32
        %dma_start3A_23 = tpu.memref_slice %arg2[%dma_start3A_21, %dma_start3A_22] : memref<80000x128xf32, #tpu.memory_space<hbm>> -> memref<80000x128xf32, #tpu.memory_space<hbm>>
        tpu.enqueue_indirect_dma source(%dma_start3A_23 : memref<80000x128xf32, #tpu.memory_space<hbm>>) target(%arg9 : memref<128x128xf32, #tpu.memory_space<vmem>>) offsets(%dma_start3A_20 : memref<128xi32, #tpu.memory_space<vmem>>) semaphore(%run_scoped3A : memref<!tpu.dma_semaphore, #tpu.memory_space<semaphore_mem>>)
        %dma_wait3A = arith.constant 0 : i32
        %dma_wait3A_24 = tpu.memref_slice %arg7[%add3A_18, %dma_wait3A] : memref<40x128xi32, #tpu.memory_space<vmem>> -> memref<1x128xi32, #tpu.memory_space<vmem>>
        %dma_wait3A_25 = tpu.memref_squeeze %dma_wait3A_24 : memref<1x128xi32, #tpu.memory_space<vmem>> -> memref<128xi32, #tpu.memory_space<vmem>>
        %dma_wait3A_26 = arith.constant 0 : i32
        %dma_wait3A_27 = arith.constant 0 : i32
        %dma_wait3A_28 = tpu.memref_slice %arg2[%dma_wait3A_26, %dma_wait3A_27] : memref<80000x128xf32, #tpu.memory_space<hbm>> -> memref<80000x128xf32, #tpu.memory_space<hbm>>
        tpu.wait_indirect_dma semaphore(%run_scoped3A : memref<!tpu.dma_semaphore, #tpu.memory_space<semaphore_mem>>) src(%dma_wait3A_28 : memref<80000x128xf32, #tpu.memory_space<hbm>>) dst(%arg9 : memref<128x128xf32, #tpu.memory_space<vmem>>)
        tpu.yield
      }) : () -> ()
      "tpu.region"() ({
        %run_scoped3A = tpu.sem_alloc : memref<!tpu.dma_semaphore, #tpu.memory_space<semaphore_mem>>
        %dma_start3A = arith.constant 0 : i32
        %dma_start3A_19 = tpu.memref_slice %arg8[%add3A_18, %dma_start3A] : memref<40x128xi32, #tpu.memory_space<vmem>> -> memref<1x128xi32, #tpu.memory_space<vmem>>
        %dma_start3A_20 = tpu.memref_squeeze %dma_start3A_19 : memref<1x128xi32, #tpu.memory_space<vmem>> -> memref<128xi32, #tpu.memory_space<vmem>>
        %dma_start3A_21 = arith.constant 0 : i32
        %dma_start3A_22 = arith.constant 0 : i32
        %dma_start3A_23 = tpu.memref_slice %arg10[%dma_start3A_21, %dma_start3A_22] : memref<10112x128xf32, #tpu.memory_space<vmem_shared>> -> memref<10112x128xf32, #tpu.memory_space<vmem_shared>>
        tpu.enqueue_indirect_dma source(%arg9 : memref<128x128xf32, #tpu.memory_space<vmem>>) target(%dma_start3A_23 : memref<10112x128xf32, #tpu.memory_space<vmem_shared>>) offsets(%dma_start3A_20 : memref<128xi32, #tpu.memory_space<vmem>>) semaphore(%run_scoped3A : memref<!tpu.dma_semaphore, #tpu.memory_space<semaphore_mem>>) {add = true}
        %dma_wait3A = arith.constant 0 : i32
        %dma_wait3A_24 = tpu.memref_slice %arg8[%add3A_18, %dma_wait3A] : memref<40x128xi32, #tpu.memory_space<vmem>> -> memref<1x128xi32, #tpu.memory_space<vmem>>
        %dma_wait3A_25 = tpu.memref_squeeze %dma_wait3A_24 : memref<1x128xi32, #tpu.memory_space<vmem>> -> memref<128xi32, #tpu.memory_space<vmem>>
        %dma_wait3A_26 = arith.constant 0 : i32
        %dma_wait3A_27 = arith.constant 0 : i32
        %dma_wait3A_28 = tpu.memref_slice %arg10[%dma_wait3A_26, %dma_wait3A_27] : memref<10112x128xf32, #tpu.memory_space<vmem_shared>> -> memref<10112x128xf32, #tpu.memory_space<vmem_shared>>
        tpu.wait_indirect_dma semaphore(%run_scoped3A : memref<!tpu.dma_semaphore, #tpu.memory_space<semaphore_mem>>) src(%arg9 : memref<128x128xf32, #tpu.memory_space<vmem>>) dst(%dma_wait3A_28 : memref<10112x128xf32, #tpu.memory_space<vmem_shared>>)
        tpu.yield
      }) : () -> ()
    }
    %scan3A_8 = arith.constant 40 : i32
    %barrier3A_9 = arith.constant 0 : index
    tpu.barrier barrier_id(%barrier3A_9)
    %mul3A_10 = arith.constant 632 : i32
    %mul3A_11 = arith.muli %arg1, %mul3A_10 : i32
    %mul3A_12 = arith.constant 632 : i32
    %mul3A_13 = arith.muli %arg1, %mul3A_12 : i32
    "tpu.region"() ({
      %run_scoped3A = tpu.sem_alloc : memref<!tpu.dma_semaphore, #tpu.memory_space<semaphore_mem>>
      %dma_start3A = arith.constant 0 : i32
      %dma_start3A_14 = tpu.memref_slice %arg6[%arg0, %mul3A_13, %dma_start3A] : memref<2x10112x128xf32, #tpu.memory_space<hbm>> -> memref<1x632x128xf32, #tpu.memory_space<hbm>>
      %dma_start3A_15 = tpu.memref_squeeze %dma_start3A_14 : memref<1x632x128xf32, #tpu.memory_space<hbm>> -> memref<632x128xf32, #tpu.memory_space<hbm>>
      %dma_start3A_16 = arith.constant 0 : i32
      %dma_start3A_17 = tpu.memref_slice %arg10[%mul3A_11, %dma_start3A_16] : memref<10112x128xf32, #tpu.memory_space<vmem_shared>> -> memref<632x128xf32, #tpu.memory_space<vmem_shared>>
      tpu.enqueue_dma source(%dma_start3A_17 : memref<632x128xf32, #tpu.memory_space<vmem_shared>>) target(%dma_start3A_15 : memref<632x128xf32, #tpu.memory_space<hbm>>) target_semaphore(%run_scoped3A : memref<!tpu.dma_semaphore, #tpu.memory_space<semaphore_mem>>)
      %dma_wait3A = arith.constant 0 : i32
      %dma_wait3A_18 = tpu.memref_slice %arg6[%arg0, %mul3A_13, %dma_wait3A] : memref<2x10112x128xf32, #tpu.memory_space<hbm>> -> memref<1x632x128xf32, #tpu.memory_space<hbm>>
      %dma_wait3A_19 = tpu.memref_squeeze %dma_wait3A_18 : memref<1x632x128xf32, #tpu.memory_space<hbm>> -> memref<632x128xf32, #tpu.memory_space<hbm>>
      %dma_wait3A_20 = arith.constant 0 : i32
      %dma_wait3A_21 = tpu.memref_slice %arg10[%mul3A_11, %dma_wait3A_20] : memref<10112x128xf32, #tpu.memory_space<vmem_shared>> -> memref<632x128xf32, #tpu.memory_space<vmem_shared>>
      tpu.wait_dma2 semaphore(%run_scoped3A : memref<!tpu.dma_semaphore, #tpu.memory_space<semaphore_mem>>) src(%dma_wait3A_21 : memref<632x128xf32, #tpu.memory_space<vmem_shared>>) dst(%dma_wait3A_19 : memref<632x128xf32, #tpu.memory_space<hbm>>)
      tpu.yield
    }) : () -> ()
    return
  }
}

module attributes {stable_mosaic.version = 14 : i64} {
  func.func @body(%arg0: i32, %arg1: memref<2x2000x128xf32, #tpu.memory_space<vmem>>, %arg2: memref<2000x256xf32, #tpu.memory_space<vmem>>, %arg3: memref<2000x256xf32, #tpu.memory_space<vmem>>) attributes {dimension_semantics = [#tpu.dimension_semantics<arbitrary>], iteration_bounds = array<i64: 5>, scalar_prefetch = 0 : i64, scratch_operands = 0 : i64, tpu.core_type = #tpu.core_type<tc>, window_params = [{transform_indices = @transform_0, window_bounds = array<i64: 2, 2000, 128>}, {transform_indices = @transform_1, window_bounds = array<i64: 2000, 256>}, {transform_indices = @transform_2, window_bounds = array<i64: 2000, 256>}]} {
    %get3A = arith.constant 0 : index
    %get3A_0 = arith.constant 0 : index
    %get3A_1 = vector.load %arg2[%get3A, %get3A_0] : memref<2000x256xf32, #tpu.memory_space<vmem>>, vector<2000x256xf32>
    %get3A_2 = arith.constant 0 : index
    %get3A_3 = arith.constant 0 : index
    %get3A_4 = arith.constant 0 : index
    %get3A_5 = vector.load %arg1[%get3A_2, %get3A_3, %get3A_4] : memref<2x2000x128xf32, #tpu.memory_space<vmem>>, vector<1x2000x1xf32>
    %get3A_6 = vector.shape_cast %get3A_5 : vector<1x2000x1xf32> to vector<2000x1xf32>
    %get3A_7 = arith.constant 1 : index
    %get3A_8 = arith.constant 0 : index
    %get3A_9 = arith.constant 0 : index
    %get3A_10 = vector.load %arg1[%get3A_7, %get3A_8, %get3A_9] : memref<2x2000x128xf32, #tpu.memory_space<vmem>>, vector<1x2000x1xf32>
    %get3A_11 = vector.shape_cast %get3A_10 : vector<1x2000x1xf32> to vector<2000x1xf32>
    %add3A = arith.addf %get3A_6, %get3A_11 : vector<2000x1xf32>
    %add3A_12 = arith.constant 1.000000e+00 : f32
    %add3A_13 = vector.broadcast %add3A_12 : f32 to vector<2000x1xf32>
    %add3A_14 = arith.addf %add3A, %add3A_13 : vector<2000x1xf32>
    %rsqrt3A = math.rsqrt %add3A_14 : vector<2000x1xf32>
    %mul3A = vector.broadcast %rsqrt3A : vector<2000x1xf32> to vector<2000x256xf32>
    %mul3A_15 = arith.mulf %get3A_1, %mul3A : vector<2000x256xf32>
    %swap3A = arith.constant 0 : index
    %swap3A_16 = arith.constant 0 : index
    %swap3A_17 = vector.load %arg3[%swap3A, %swap3A_16] : memref<2000x256xf32, #tpu.memory_space<vmem>>, vector<2000x256xf32>
    tpu.vector_store %arg3[%swap3A, %swap3A_16], %mul3A_15 {strides = array<i32>} : memref<2000x256xf32, #tpu.memory_space<vmem>>, vector<2000x256xf32>,
    return
  }
  func.func @transform_0(%arg0: i32) -> (i32, i32, i32) {
    %c0_i32 = arith.constant 0 : i32
    %c0_i32_0 = arith.constant 0 : i32
    %c0_i32_1 = arith.constant 0 : i32
    return %c0_i32, %arg0, %c0_i32_0 : i32, i32, i32
  }
  func.func @transform_1(%arg0: i32) -> (i32, i32) {
    %c0_i32 = arith.constant 0 : i32
    %c0_i32_0 = arith.constant 0 : i32
    return %arg0, %c0_i32 : i32, i32
  }
  func.func @transform_2(%arg0: i32) -> (i32, i32) {
    %c0_i32 = arith.constant 0 : i32
    %c0_i32_0 = arith.constant 0 : i32
    return %arg0, %c0_i32 : i32, i32
  }
}

module attributes {stable_mosaic.version = 14 : i64} {
  func.func @body(%arg0: i32, %arg1: memref<2x2000x128xf32, #tpu.memory_space<vmem>>, %arg2: memref<2000x256xf32, #tpu.memory_space<vmem>>, %arg3: memref<2x2000x128xf32, #tpu.memory_space<vmem>>, %arg4: memref<256x512xf32, #tpu.memory_space<vmem>>, %arg5: memref<1x512xf32, #tpu.memory_space<vmem>>, %arg6: memref<512x128xf32, #tpu.memory_space<vmem>>, %arg7: memref<2000x128xf32, #tpu.memory_space<vmem>>) attributes {dimension_semantics = [#tpu.dimension_semantics<arbitrary>], iteration_bounds = array<i64: 5>, scalar_prefetch = 0 : i64, scratch_operands = 0 : i64, tpu.core_type = #tpu.core_type<tc>, window_params = [{transform_indices = @transform_0, window_bounds = array<i64: 2, 2000, 128>}, {transform_indices = @transform_1, window_bounds = array<i64: 2000, 256>}, {transform_indices = @transform_2, window_bounds = array<i64: 2, 2000, 128>}, {pipeline_mode = #tpu.pipeline_mode<synchronous>, transform_indices = @transform_3, window_bounds = array<i64: 256, 512>}, {pipeline_mode = #tpu.pipeline_mode<synchronous>, transform_indices = @transform_4, window_bounds = array<i64: 1, 512>}, {pipeline_mode = #tpu.pipeline_mode<synchronous>, transform_indices = @transform_5, window_bounds = array<i64: 512, 128>}, {transform_indices = @transform_6, window_bounds = array<i64: 2000, 128>}]} {
    %get3A = arith.constant 0 : index
    %get3A_0 = arith.constant 0 : index
    %get3A_1 = arith.constant 0 : index
    %get3A_2 = vector.load %arg1[%get3A, %get3A_0, %get3A_1] : memref<2x2000x128xf32, #tpu.memory_space<vmem>>, vector<1x2000x1xf32>
    %get3A_3 = vector.shape_cast %get3A_2 : vector<1x2000x1xf32> to vector<2000x1xf32>
    %get3A_4 = arith.constant 1 : index
    %get3A_5 = arith.constant 0 : index
    %get3A_6 = arith.constant 0 : index
    %get3A_7 = vector.load %arg1[%get3A_4, %get3A_5, %get3A_6] : memref<2x2000x128xf32, #tpu.memory_space<vmem>>, vector<1x2000x1xf32>
    %get3A_8 = vector.shape_cast %get3A_7 : vector<1x2000x1xf32> to vector<2000x1xf32>
    %add3A = arith.addf %get3A_3, %get3A_8 : vector<2000x1xf32>
    %add3A_9 = arith.constant 1.000000e+00 : f32
    %add3A_10 = vector.broadcast %add3A_9 : f32 to vector<2000x1xf32>
    %add3A_11 = arith.addf %add3A, %add3A_10 : vector<2000x1xf32>
    %rsqrt3A = math.rsqrt %add3A_11 : vector<2000x1xf32>
    %get3A_12 = arith.constant 0 : index
    %get3A_13 = arith.constant 0 : index
    %get3A_14 = arith.constant 0 : index
    %get3A_15 = vector.load %arg3[%get3A_12, %get3A_13, %get3A_14] : memref<2x2000x128xf32, #tpu.memory_space<vmem>>, vector<1x2000x128xf32>
    %get3A_16 = vector.shape_cast %get3A_15 : vector<1x2000x128xf32> to vector<2000x128xf32>
    %get3A_17 = arith.constant 1 : index
    %get3A_18 = arith.constant 0 : index
    %get3A_19 = arith.constant 0 : index
    %get3A_20 = vector.load %arg3[%get3A_17, %get3A_18, %get3A_19] : memref<2x2000x128xf32, #tpu.memory_space<vmem>>, vector<1x2000x128xf32>
    %get3A_21 = vector.shape_cast %get3A_20 : vector<1x2000x128xf32> to vector<2000x128xf32>
    %concatenate3A = tpu.concatenate %get3A_16, %get3A_21 in 1 : vector<2000x128xf32>, vector<2000x128xf32> -> vector<2000x256xf32>
    %get3A_22 = arith.constant 0 : index
    %get3A_23 = arith.constant 0 : index
    %get3A_24 = vector.load %arg2[%get3A_22, %get3A_23] : memref<2000x256xf32, #tpu.memory_space<vmem>>, vector<2000x256xf32>
    %add3A_25 = arith.addf %get3A_24, %concatenate3A : vector<2000x256xf32>
    %mul3A = vector.broadcast %rsqrt3A : vector<2000x1xf32> to vector<2000x256xf32>
    %mul3A_26 = arith.mulf %add3A_25, %mul3A : vector<2000x256xf32>
    %get3A_27 = arith.constant 0 : index
    %get3A_28 = arith.constant 0 : index
    %get3A_29 = vector.load %arg4[%get3A_27, %get3A_28] : memref<256x512xf32, #tpu.memory_space<vmem>>, vector<256x512xf32>
    %dot_general3A = arith.constant dense<0.000000e+00> : vector<2000x512xf32>
    %dot_general3A_30 = tpu.matmul %mul3A_26, %get3A_29, %dot_general3A {dimension_numbers = #tpu.dot_dimension_numbers<[1], [0], [0], [1], [0, 0, 1, 1], [], []>, transpose_lhs_hint = false} : vector<2000x256xf32>, vector<256x512xf32>, vector<2000x512xf32> -> vector<2000x512xf32>
    %get3A_31 = arith.constant 0 : index
    %get3A_32 = arith.constant 0 : index
    %get3A_33 = vector.load %arg5[%get3A_31, %get3A_32] : memref<1x512xf32, #tpu.memory_space<vmem>>, vector<1x512xf32>
    %add3A_34 = vector.broadcast %get3A_33 : vector<1x512xf32> to vector<2000x512xf32>
    %add3A_35 = arith.addf %dot_general3A_30, %add3A_34 : vector<2000x512xf32>
    %max3A = arith.constant 0.000000e+00 : f32
    %max3A_36 = vector.broadcast %max3A : f32 to vector<2000x512xf32>
    %max3A_37 = arith.maximumf %add3A_35, %max3A_36 : vector<2000x512xf32>
    %get3A_38 = arith.constant 0 : index
    %get3A_39 = arith.constant 0 : index
    %get3A_40 = vector.load %arg6[%get3A_38, %get3A_39] : memref<512x128xf32, #tpu.memory_space<vmem>>, vector<512x128xf32>
    %dot_general3A_41 = arith.constant dense<0.000000e+00> : vector<2000x128xf32>
    %dot_general3A_42 = tpu.matmul %max3A_37, %get3A_40, %dot_general3A_41 {dimension_numbers = #tpu.dot_dimension_numbers<[1], [0], [0], [1], [0, 0, 1, 1], [], []>, transpose_lhs_hint = false} : vector<2000x512xf32>, vector<512x128xf32>, vector<2000x128xf32> -> vector<2000x128xf32>
    %mul3A_43 = vector.broadcast %rsqrt3A : vector<2000x1xf32> to vector<2000x128xf32>
    %mul3A_44 = arith.mulf %dot_general3A_42, %mul3A_43 : vector<2000x128xf32>
    %swap3A = arith.constant 0 : index
    %swap3A_45 = arith.constant 0 : index
    %swap3A_46 = vector.load %arg7[%swap3A, %swap3A_45] : memref<2000x128xf32, #tpu.memory_space<vmem>>, vector<2000x128xf32>
    tpu.vector_store %arg7[%swap3A, %swap3A_45], %mul3A_44 {strides = array<i32>} : memref<2000x128xf32, #tpu.memory_space<vmem>>, vector<2000x128xf32>,
    return
  }
  func.func @transform_0(%arg0: i32) -> (i32, i32, i32) {
    %c0_i32 = arith.constant 0 : i32
    %c0_i32_0 = arith.constant 0 : i32
    %c0_i32_1 = arith.constant 0 : i32
    return %c0_i32, %arg0, %c0_i32_0 : i32, i32, i32
  }
  func.func @transform_1(%arg0: i32) -> (i32, i32) {
    %c0_i32 = arith.constant 0 : i32
    %c0_i32_0 = arith.constant 0 : i32
    return %arg0, %c0_i32 : i32, i32
  }
  func.func @transform_2(%arg0: i32) -> (i32, i32, i32) {
    %c0_i32 = arith.constant 0 : i32
    %c0_i32_0 = arith.constant 0 : i32
    %c0_i32_1 = arith.constant 0 : i32
    return %c0_i32, %arg0, %c0_i32_0 : i32, i32, i32
  }
  func.func @transform_3(%arg0: i32) -> (i32, i32) {
    %c0_i32 = arith.constant 0 : i32
    %c0_i32_0 = arith.constant 0 : i32
    %c0_i32_1 = arith.constant 0 : i32
    return %c0_i32, %c0_i32_0 : i32, i32
  }
  func.func @transform_4(%arg0: i32) -> (i32, i32) {
    %c0_i32 = arith.constant 0 : i32
    %c0_i32_0 = arith.constant 0 : i32
    %c0_i32_1 = arith.constant 0 : i32
    return %c0_i32, %c0_i32_0 : i32, i32
  }
  func.func @transform_5(%arg0: i32) -> (i32, i32) {
    %c0_i32 = arith.constant 0 : i32
    %c0_i32_0 = arith.constant 0 : i32
    %c0_i32_1 = arith.constant 0 : i32
    return %c0_i32, %c0_i32_0 : i32, i32
  }
  func.func @transform_6(%arg0: i32) -> (i32, i32) {
    %c0_i32 = arith.constant 0 : i32
    %c0_i32_0 = arith.constant 0 : i32
    return %arg0, %c0_i32 : i32, i32
  }
}

module attributes {stable_mosaic.version = 14 : i64} {
  func.func @body(%arg0: i32, %arg1: memref<2x2000x128xf32, #tpu.memory_space<vmem>>, %arg2: memref<2000x128xf32, #tpu.memory_space<vmem>>, %arg3: memref<2x2000x128xf32, #tpu.memory_space<vmem>>, %arg4: memref<1x128xf32, #tpu.memory_space<vmem>>, %arg5: memref<2000x128xf32, #tpu.memory_space<vmem>>) attributes {dimension_semantics = [#tpu.dimension_semantics<arbitrary>], iteration_bounds = array<i64: 5>, scalar_prefetch = 0 : i64, scratch_operands = 0 : i64, tpu.core_type = #tpu.core_type<tc>, window_params = [{transform_indices = @transform_0, window_bounds = array<i64: 2, 2000, 128>}, {transform_indices = @transform_1, window_bounds = array<i64: 2000, 128>}, {transform_indices = @transform_2, window_bounds = array<i64: 2, 2000, 128>}, {pipeline_mode = #tpu.pipeline_mode<synchronous>, transform_indices = @transform_3, window_bounds = array<i64: 1, 128>}, {transform_indices = @transform_4, window_bounds = array<i64: 2000, 128>}]} {
    %get3A = arith.constant 0 : index
    %get3A_0 = arith.constant 0 : index
    %get3A_1 = arith.constant 0 : index
    %get3A_2 = vector.load %arg1[%get3A, %get3A_0, %get3A_1] : memref<2x2000x128xf32, #tpu.memory_space<vmem>>, vector<1x2000x1xf32>
    %get3A_3 = vector.shape_cast %get3A_2 : vector<1x2000x1xf32> to vector<2000x1xf32>
    %get3A_4 = arith.constant 1 : index
    %get3A_5 = arith.constant 0 : index
    %get3A_6 = arith.constant 0 : index
    %get3A_7 = vector.load %arg1[%get3A_4, %get3A_5, %get3A_6] : memref<2x2000x128xf32, #tpu.memory_space<vmem>>, vector<1x2000x1xf32>
    %get3A_8 = vector.shape_cast %get3A_7 : vector<1x2000x1xf32> to vector<2000x1xf32>
    %add3A = arith.addf %get3A_3, %get3A_8 : vector<2000x1xf32>
    %add3A_9 = arith.constant 1.000000e+00 : f32
    %add3A_10 = vector.broadcast %add3A_9 : f32 to vector<2000x1xf32>
    %add3A_11 = arith.addf %add3A, %add3A_10 : vector<2000x1xf32>
    %rsqrt3A = math.rsqrt %add3A_11 : vector<2000x1xf32>
    %get3A_12 = arith.constant 0 : index
    %get3A_13 = arith.constant 0 : index
    %get3A_14 = vector.load %arg2[%get3A_12, %get3A_13] : memref<2000x128xf32, #tpu.memory_space<vmem>>, vector<2000x128xf32>
    %get3A_15 = arith.constant 0 : index
    %get3A_16 = arith.constant 0 : index
    %get3A_17 = arith.constant 0 : index
    %get3A_18 = vector.load %arg3[%get3A_15, %get3A_16, %get3A_17] : memref<2x2000x128xf32, #tpu.memory_space<vmem>>, vector<1x2000x128xf32>
    %get3A_19 = vector.shape_cast %get3A_18 : vector<1x2000x128xf32> to vector<2000x128xf32>
    %add3A_20 = arith.addf %get3A_14, %get3A_19 : vector<2000x128xf32>
    %get3A_21 = arith.constant 1 : index
    %get3A_22 = arith.constant 0 : index
    %get3A_23 = arith.constant 0 : index
    %get3A_24 = vector.load %arg3[%get3A_21, %get3A_22, %get3A_23] : memref<2x2000x128xf32, #tpu.memory_space<vmem>>, vector<1x2000x128xf32>
    %get3A_25 = vector.shape_cast %get3A_24 : vector<1x2000x128xf32> to vector<2000x128xf32>
    %add3A_26 = arith.addf %add3A_20, %get3A_25 : vector<2000x128xf32>
    %mul3A = vector.broadcast %rsqrt3A : vector<2000x1xf32> to vector<2000x128xf32>
    %mul3A_27 = arith.mulf %add3A_26, %mul3A : vector<2000x128xf32>
    %get3A_28 = arith.constant 0 : index
    %get3A_29 = arith.constant 0 : index
    %get3A_30 = vector.load %arg4[%get3A_28, %get3A_29] : memref<1x128xf32, #tpu.memory_space<vmem>>, vector<1x128xf32>
    %add3A_31 = vector.broadcast %get3A_30 : vector<1x128xf32> to vector<2000x128xf32>
    %add3A_32 = arith.addf %mul3A_27, %add3A_31 : vector<2000x128xf32>
    %iota3A = tpu.iota {dimensions = array<i32: 1>} : vector<2000x128xi32>
    %lt3A = arith.constant 40 : i32
    %lt3A_33 = vector.broadcast %lt3A : i32 to vector<2000x128xi32>
    %lt3A_34 = arith.cmpi slt, %iota3A, %lt3A_33 : vector<2000x128xi32>
    %jit3A = arith.constant 0xFF800000 : f32
    %broadcast_in_dim3A = vector.broadcast %jit3A : f32 to vector<2000x128xf32>
    %select_n3A = arith.select %lt3A_34, %add3A_32, %broadcast_in_dim3A : vector<2000x128xi1>, vector<2000x128xf32>
    %reduce_max3A = arith.constant dense<0xFF800000> : vector<2000xf32>
    %reduce_max3A_35 = vector.multi_reduction <maximumf>, %select_n3A, %reduce_max3A [1] : vector<2000x128xf32> to vector<2000xf32>
    %broadcast_in_dim3A_36 = vector.shape_cast %reduce_max3A_35 : vector<2000xf32> to vector<2000x1xf32>
    %sub3A = vector.broadcast %broadcast_in_dim3A_36 : vector<2000x1xf32> to vector<2000x128xf32>
    %sub3A_37 = arith.subf %add3A_32, %sub3A : vector<2000x128xf32>
    %exp3A = math.exp %sub3A_37 : vector<2000x128xf32>
    %jit3A_38 = arith.constant 0.000000e+00 : f32
    %broadcast_in_dim3A_39 = vector.broadcast %jit3A_38 : f32 to vector<2000x128xf32>
    %select_n3A_40 = arith.select %lt3A_34, %exp3A, %broadcast_in_dim3A_39 : vector<2000x128xi1>, vector<2000x128xf32>
    %reduce_sum3A = arith.constant dense<0.000000e+00> : vector<2000xf32>
    %reduce_sum3A_41 = vector.multi_reduction <add>, %select_n3A_40, %reduce_sum3A [1] : vector<2000x128xf32> to vector<2000xf32>
    %broadcast_in_dim3A_42 = vector.shape_cast %reduce_sum3A_41 : vector<2000xf32> to vector<2000x1xf32>
    %log3A = math.log %broadcast_in_dim3A_42 : vector<2000x1xf32>
    %sub3A_43 = vector.broadcast %broadcast_in_dim3A_36 : vector<2000x1xf32> to vector<2000x128xf32>
    %sub3A_44 = arith.subf %add3A_32, %sub3A_43 : vector<2000x128xf32>
    %sub3A_45 = vector.broadcast %log3A : vector<2000x1xf32> to vector<2000x128xf32>
    %sub3A_46 = arith.subf %sub3A_44, %sub3A_45 : vector<2000x128xf32>
    %swap3A = arith.constant 0 : index
    %swap3A_47 = arith.constant 0 : index
    %swap3A_48 = vector.load %arg5[%swap3A, %swap3A_47] : memref<2000x128xf32, #tpu.memory_space<vmem>>, vector<2000x128xf32>
    tpu.vector_store %arg5[%swap3A, %swap3A_47], %sub3A_46 {strides = array<i32>} : memref<2000x128xf32, #tpu.memory_space<vmem>>, vector<2000x128xf32>,
    return
  }
  func.func @transform_0(%arg0: i32) -> (i32, i32, i32) {
    %c0_i32 = arith.constant 0 : i32
    %c0_i32_0 = arith.constant 0 : i32
    %c0_i32_1 = arith.constant 0 : i32
    return %c0_i32, %arg0, %c0_i32_0 : i32, i32, i32
  }
  func.func @transform_1(%arg0: i32) -> (i32, i32) {
    %c0_i32 = arith.constant 0 : i32
    %c0_i32_0 = arith.constant 0 : i32
    return %arg0, %c0_i32 : i32, i32
  }
  func.func @transform_2(%arg0: i32) -> (i32, i32, i32) {
    %c0_i32 = arith.constant 0 : i32
    %c0_i32_0 = arith.constant 0 : i32
    %c0_i32_1 = arith.constant 0 : i32
    return %c0_i32, %arg0, %c0_i32_0 : i32, i32, i32
  }
  func.func @transform_3(%arg0: i32) -> (i32, i32) {
    %c0_i32 = arith.constant 0 : i32
    %c0_i32_0 = arith.constant 0 : i32
    %c0_i32_1 = arith.constant 0 : i32
    return %c0_i32, %c0_i32_0 : i32, i32
  }
  func.func @transform_4(%arg0: i32) -> (i32, i32) {
    %c0_i32 = arith.constant 0 : i32
    %c0_i32_0 = arith.constant 0 : i32
    return %arg0, %c0_i32 : i32, i32
  }
}

</mosaic_0001>

<sc_bundles>
// kernel: kernel.11.cloned.1.call-start
scs
__scs_entry_jumppad:
0x0: {  	(pc) =	sbr.rel $0x88, $3  }
0x1: {  	(tag) =	ssettag $0x0;
	lr =	simm.s32 $0x1  }
0x2: {  	[smem:$0x3F9B] =	sst lr;
	_ =	strace $0xD0000000  }
0x3: {  	_ = 	snop  }
0x4: {  	_ = 	snop  }
0x5: {  	_ = 	snop  }
0x6: {  	_ = 	snop  }
0x7: {  	_ = 	snop  }
__scs_overlays_trampoline_lowered:
0x8: {  	[smem:$0x3FAA] =	sst s0  }
0x9: {  	[smem:$0x3FAB] =	sst s1  }
0xa: {  	[smem:$0x3FAC] =	sst s2  }
0xb: {  	[smem:$0x3FAD] =	sst s3  }
0xc: {  	[smem:$0x3FAE] =	sst s4  }
0xd: {  	[smem:$0x3FAF] =	sst s5  }
0xe: {  	[smem:$0x3FB0] =	sst s6  }
0xf: {  	[smem:$0x3FB1] =	sst s7  }
0x10: {  	[smem:$0x3FB2] =	sst s8  }
0x11: {  	[smem:$0x3FB3] =	sst s9;
	s0 =	simm.s32 @!p0 $0x0  }
0x12: {  	s1 =	sld [smem:$0x3F99];
	s0 =	simm.s32 @p0 $0x1  }
0x13: {  	[smem:$0x3FB4] =	sst s0;
	s0 =	simm.s32 @!p1 $0x0  }
0x14: {  	s2 =	sld [smem:$0x3F98];
	s0 =	simm.s32 @p1 $0x1  }
0x15: {  	[smem:$0x3FB5] =	sst s0;
	s0 =	simm.s32 @!p2 $0x0  }
0x16: {  	s3 =	sld [smem:$0x3FDB];
	s0 =	simm.s32 @p2 $0x1  }
0x17: {  	s4 =	simm.s32 $0x1BF5;
	[smem:$0x3FB7] =	sst s0  }
0x18: {  	s0 =	sld [smem:$0x3F9A];
	_ =	swait.ge [sflag:s4], $0x0  }
0x19: {  	s7 =	sld [smem:$0x3F9B]  }
0x1a: {  	s8 =	sadd.s32 $0xFFFFE003, lr  }
0x1b: {  	s9 =	sadd.s32 $0xFFFFFEF7, lr;
	s5 =	simm.s32 $0xFFFFFFFF;
	p2 =	slt.u32 s8, $0xFFFFF086  }
0x1c: {  	p1 =	slt.u32 s9, $0xF7A;
	s5 =	simm.s32 @!p2 $0x0  }
0x1d: {  	s5 =	simm.s32 @p1 $0x1;
	p0 =	seq.s32 s7, s2  }
0x1e: {  	s7 =	smul.u32 @!p0 $0xF7A, s2;
	p2 =	seq.s32 @!p0 s5, $0x0  }
0x1f: {  	s9 =	smul.u32 $0xF7A, s1;
	s8 =	simm.s32 @!p0 $0x1BF5;
	p2 =	por !p2, p0  }
0x20: {  	[sflag:s8] =	ssyncset.s32 @!p0 $0xFFFFF086;
	s6 =	sadd.s32 @!p0 s3, s7;
	s7 =	simm.s32 @!p0 $0x108  }
0x21: {  	s3 =	sadd.s32 s3, s9;
	s6 =	sadd.s32 @!p0 $0x88, s6;
	s7 =	simm.s32 @p2 $0x1082  }
0x22: {  	[simem:s7], [sflag:s8] =	dma.local @!p0 [hbm:s6], $0xF7A  }
0x23: {  	s9 =	sor.u32 $0xD0000000, s2;
	s6 =	simm.s32 $0x108;
	_ =	swait.ge @!p0 [sflag:s8], $0x0  }
0x24: {  	s3 =	sadd.s32 $0x88, s3;
	s6 =	simm.s32 @!p1 $0x1082;
	[sflag:s4] =	ssyncset.s32 $0xFFFFF086  }
0x25: {  	[simem:s6], [sflag:s4] =	dma.local [hbm:s3], $0xF7A  }
0x26: {  	[smem:$0x3F9B] =	sst s1;
	(tag) =	ssettag s2;
	_ =	strace s9  }
0x27: {  	s1 =	sld [smem:$0x3FAB]  }
0x28: {  	s2 =	sld [smem:$0x3FAC]  }
0x29: {  	s4 =	sld [smem:$0x3FAE]  }
0x2a: {  	p0 =	seq.s32 s5, $0x0;
	s5 =	sld [smem:$0x3FAF]  }
0x2b: {  	s6 =	sld [smem:$0x3FB0]  }
0x2c: {  	s7 =	sld [smem:$0x3FB1]  }
0x2d: {  	s3 =	simm.s32 $0x108;
	s8 =	sld [smem:$0x3FB2]  }
0x2e: {  	s3 =	simm.s32 @!p0 $0x1082;
	s9 =	sld [smem:$0x3FB3]  }
0x2f: {  	lr =	sadd.s32 s0, s3;
	s0 =	sld [smem:$0x3FAA]  }
0x30: {  	s3 =	sld [smem:$0x3FAD]  }
0x31: {  	[smem:$0x3FB6] =	sst s10  }
0x32: {  	s10 =	sld [smem:$0x3FB4];
	_ =	sdelay $0x3  }
0x33: {  	p0 =	seq.s32 s10, $0x1;
	s10 =	sld [smem:$0x3FB6];
	_ =	sdelay $0x3  }
0x34: {  	[smem:$0x3FB6] =	sst s10  }
0x35: {  	s10 =	sld [smem:$0x3FB5];
	_ =	sdelay $0x3  }
0x36: {  	p1 =	seq.s32 s10, $0x1;
	s10 =	sld [smem:$0x3FB6];
	_ =	sdelay $0x3  }
0x37: {  	[smem:$0x3FB6] =	sst s10  }
0x38: {  	s10 =	sld [smem:$0x3FB7]  }
0x39: {  	_ = 	snop;
	(pc) =	sbr.ind lr, $3  }
0x3a: {  	_ = 	snop  }
0x3b: {  	_ = 	snop  }
0x3c: {  	p2 =	seq.s32 s10, $0x1;
	s10 =	sld [smem:$0x3FB6]  }
0x3d: {  	_ =	shalt  }
0x3e: {  	_ =	shalt  }
0x3f: {  	_ =	shalt  }
0x40: {  	_ =	shalt  }
0x41: {  	_ =	shalt  }
0x42: {  	_ =	shalt  }
0x43: {  	_ =	shalt  }
0x44: {  	_ =	shalt  }
0x45: {  	_ =	shalt  }
0x46: {  	_ =	shalt  }
0x47: {  	_ =	shalt  }
0x48: {  	_ =	shalt  }
0x49: {  	_ =	shalt  }
0x4a: {  	_ =	shalt  }
0x4b: {  	_ =	shalt  }
0x4c: {  	_ =	shalt  }
0x4d: {  	_ =	shalt  }
0x4e: {  	_ =	shalt  }
0x4f: {  	_ =	shalt  }
0x50: {  	_ =	shalt  }
0x51: {  	_ =	shalt  }
0x52: {  	_ =	shalt  }
0x53: {  	_ =	shalt  }
0x54: {  	_ =	shalt  }
0x55: {  	_ =	shalt  }
0x56: {  	_ =	shalt  }
0x57: {  	_ =	shalt  }
0x58: {  	_ =	shalt  }
0x59: {  	_ =	shalt  }
0x5a: {  	_ =	shalt  }
0x5b: {  	_ =	shalt  }
0x5c: {  	_ =	shalt  }
0x5d: {  	_ =	shalt  }
0x5e: {  	_ =	shalt  }
0x5f: {  	_ =	shalt  }
0x60: {  	_ =	shalt  }
0x61: {  	_ =	shalt  }
0x62: {  	_ =	shalt  }
0x63: {  	_ =	shalt  }
0x64: {  	_ =	shalt  }
0x65: {  	_ =	shalt  }
0x66: {  	_ =	shalt  }
0x67: {  	_ =	shalt  }
0x68: {  	_ =	shalt  }
0x69: {  	_ =	shalt  }
0x6a: {  	_ =	shalt  }
0x6b: {  	_ =	shalt  }
0x6c: {  	_ =	shalt  }
0x6d: {  	_ =	shalt  }
0x6e: {  	_ =	shalt  }
0x6f: {  	_ =	shalt  }
0x70: {  	_ =	shalt  }
0x71: {  	_ =	shalt  }
0x72: {  	_ =	shalt  }
0x73: {  	_ =	shalt  }
0x74: {  	_ =	shalt  }
0x75: {  	_ =	shalt  }
0x76: {  	_ =	shalt  }
0x77: {  	_ =	shalt  }
0x78: {  	_ =	shalt  }
0x79: {  	_ =	shalt  }
0x7a: {  	_ =	shalt  }
0x7b: {  	_ =	shalt  }
0x7c: {  	_ =	shalt  }
0x7d: {  	_ =	shalt  }
0x7e: {  	_ =	shalt  }
0x7f: {  	_ =	shalt  }
0x80: {  	_ =	shalt  }
0x81: {  	_ =	shalt  }
0x82: {  	_ =	shalt  }
0x83: {  	_ =	shalt  }
0x84: {  	_ =	shalt  }
0x85: {  	_ =	shalt  }
0x86: {  	_ =	shalt  }
0x87: {  	_ =	shalt  }
.Lfunc_end0:
.L_simem_size_0:
called_computation.1_lowered:
.L_overlay_start_0:
0x88: {  	s2 =	sld [smem:$0x3FD9]  }
0x89: {  	s3 =	sld [smem:$0x3FFE];
	_ =	sdelay $0x1  }
0x8a: {  	s1 =	srdreg.scid  }
0x8b: {  	s0 =	sand.u32 $0x1, s1  }
0x8c: {  	s17 =	sshll.u32 s0, $0xA;
	s2 =	sadd.s32 s3, s2  }
0x8d: {  	s2 =	sadd.s32 s2, s17  }
0x8e: {  	[smem:$0x3FC2] =	sst s2  }
0x8f: {  	_ = 	snop  }
0x90: {  	s2 =	sld [smem:$0x3FD0];
	(tm) =	ssettm $0x1  }
0x91: {  	s18 =	sld [smem:$0x3FFB];
	_ =	sdelay $0x3  }
0x92: {  	_ =	strace s18  }
0x93: {  	s3 =	sld [smem:$0x3FFC];
	_ =	sdelay $0x3  }
0x94: {  	_ =	strace s3  }
0x95: {  	s3 =	sld [smem:$0x3FFD];
	_ =	sdelay $0x3  }
0x96: {  	_ =	strace s3  }
0x97: {  	_ =	strace $0x8FFFFFFF  }
0x98: {  	s19 =	sld [smem:$0x3FDB];
	_ =	sdelay $0x1  }
0x99: {  	s4 =	simm.s32 $_scs_section_size  }
0x9a: {  	s5 =	simm.s32 $_size__tile_overlayer_lowered;
	s6 =	simm.s32 $_tile_overlayer_lowered  }
0x9b: {  	s22 =	simm.s32 $0x1BFF;
	s21 =	sshll.u32 s6, $0x1;
	s3 =	sadd.s32 s4, s19  }
0x9c: {  	s7 =	simm.s32 $0x0;
	s20 =	sshll.u32 s5, $0x1;
	s5 =	sadd.s32 s21, s3  }
0x9d: {  	[timem:s7], [sflag:s22] =	dma.local [hbm:s5], s20  }
0x9e: {  	_ =	swait.ge [sflag:s22], s20  }
0x9f: {  	s4 =	ssub.s32 $0x0, s20;
	[sflag:s22] =	ssyncset.done $0x0  }
0xa0: {  	[sflag:s22] =	ssyncadd.s32 s4;
	_ =	sdelay $0x1  }
0xa1: {  	s23 =	simm.s32 $0x1B8B  }
0xa2: {  	_ =	swait.ge [sflag:s23], $0x1  }
0xa3: {  	[sflag:s23] =	ssyncset.done $0x0  }
0xa4: {  	s25 =	simm.s32 $0x1B8E;
	s24 =	sld [smem:$0x3FFE];
	[sflag:s23] =	ssyncadd.s32 $0xFFFFFFFF  }
0xa5: {  	s26 =	simm.s32 $execute0_lowered;
	[smem:$0x3FD2] =	sst s25  }
0xa6: {  	s5 =	sshll.u32 s26, $0x1;
	_ =	strace $0x80000049;
	[dreg:$0x1] =	wrdreg $0xFFFFFFFF  }
0xa7: {  	s28 =	simm.s32 $_size_execute0_lowered;
	s3 =	sadd.s32 s3, s5;
	[dreg:$0x0] =	wrdreg $0x0  }
0xa8: {  	s5 =	sshll.u32 s28, $0x1;
	[dreg:$0x2] =	wrdreg s3  }
0xa9: {  	[dreg:$0x3] =	wrdreg s5  }
0xaa: {  	[dreg:$0x4] =	wrdreg $0xC0  }
0xab: {  	_ =	task [dreg:s7], $0x5FFFF  }
0xac: {  	[dreg:$0x1] =	wrdreg $0xFFFFFFFF  }
0xad: {  	[dreg:$0x0] =	wrdreg $0x60  }
0xae: {  	[dreg:$0x2] =	wrdreg s24  }
0xaf: {  	[dreg:$0x3] =	wrdreg s2  }
0xb0: {  	[dreg:$0x4] =	wrdreg $0x90000  }
0xb1: {  	[dreg:$0x5] =	wrdreg $0x9  }
0xb2: {  	_ =	task.clear_ibuf [dreg:s7], $0x6FFFF;
	_ =	strace $0x90000049  }
0xb3: {  	s29 =	simm.s32 $0x9;
	_ =	strace $0x8000004B  }
0xb4: {  	_ =	swait.ge [sflag:s29], $0x1  }
0xb5: {  	[sflag:s29] =	ssyncadd.s32 $0xFFFFFFFF  }
0xb6: {  	_ =	strace $0x9000004B  }
0xb7: {  	_ =	sfence  }
0xb8: {  	s30 =	sld [smem:$0x0];
	_ =	sdelay $0x2  }
0xb9: {  	s31 =	sshll.u32 s1, $0xD;
	s1 =	sshrl.u32 s1, $0x2  }
0xba: {  	s3 =	sand.u32 $0x4000, s31;
	s1 =	sadd.s32 s1, s30  }
0xbb: {  	s0 =	sor.u32 s3, s0;
	s1 =	sshll.u32 s1, $0x11  }
0xbc: {  	s0 =	sor.u32 s1, s0  }
0xbd: {  	s0 =	sadd.s32 $0x8F2B, s0  }
0xbe: {  	[sflag:s0] =	ssyncadd.remote.s32 $0x1  }
0xbf: {  	_ =	sfence.sel $0xFFFF  }
0xc0: {  	[dreg:$0x0] =	wrdreg $0xFFFFFFFF;
	(pc) =	sbr.abs _section_cstart, $3  }
0xc1: {  	[dreg:$0x1] =	wrdreg $0xFFFFFFFF  }
0xc2: {  	_ =	task.clear_ibuf [dreg:s7], $0x2FFFF;
	_ =	strace $0x9FFFFFFF  }
0xc3: {  	(tm) =	ssettm $0x7FFFFFFF  }
tec
execute0_lowered:
.L_overlay_start_1:
0x0: {  	(tag) =	ssettag $0x1  }
0x1: {  	s5 =	rddreg [dreg:$0x0]  }
0x2: {  	s7 =	rddreg [dreg:$0x1]  }
0x3: {  	s2 =	rddreg [dreg:$0x2]  }
0x4: {  	s0 =	rddreg [dreg:$0x3]  }
0x5: {  	s1 =	stileid.u32;
	s4 =	srdreg.scid  }
0x6: {  	s3 =	simm.s32 $0x0;
	s15 =	simm.s32 $0x5000;
	s6 =	smul.u32 $0x500, s1  }
0x7: {  	s16 =	simm.s32 $0x0;
	s8 =	smul.u32 $0x13C00, s1;
	s9 =	sand.u32 $0x1, s4  }
0x8: {  	[smem:$0x7FF] =	sst s3;
	s4 =	sadd.s32 $0x83400, s5;
	s25 =	smul.u32 $0x4F000, s1  }
0x9: {  	s31 =	sshll.u32 s1, $0x6;
	s10 =	smul.u32 $0x13C000, s9;
	_ =	strace $0x8000004A  }
0xa: {  	s26 =	sshll.u32 s9, $0x4;
	s28 =	ssub.s32 $0x2, s9;
	s11 =	sshrl.u32 s8, $0x3  }
0xb: {  	s12 =	sadd.s32 s6, s5;
	s29 =	sor.u32 s1, s26;
	s9 =	sshrl.u32 s28, $0x1  }
0xc: {  	s6 =	sor.u32 $0x1C01, s31;
	s24 =	sadd.s32 s11, s5;
	s8 =	sadd.s32 s8, s10  }
0xd: {  	s10 =	sshrl.u32 s25, $0x2;
	s30 =	ssub.s32 s28, s9;
	s8 =	sshrl.u32 s8, $0x3  }
0xe: {  	s14 =	sadd.s32 s10, s2;
	s10 =	smax.u32 s30, $0x1;
	s13 =	sadd.s32 s8, s5  }
0xf: {  	s8 =	smul.u32 $0x500, s29;
	s5 =	sadd.s32 $0x7400, s24;
	s11 =	sshrl.u32 s14, $0x3  }
0x10: {  	s14 =	simm.s32 $0x80;
	s9 =	sadd.s32 $0x1BBC00, s13;
	s13 =	simm.s32 $0x2800  }
0x11: {  	s7 =	sadd.s32 s7, s8;
	s8 =	sadd.s32 $0x7E400, s12;
	s12 =	simm.s32 $0x1  }
.LBB2_1:
0x12: {  	[spmem:s11], [sflag:s6] =	dma.local [hbm:s5], $0x2780  }
0x13: {  	_ =	swait.ge [sflag:s12], $0x2780  }
0x14: {  	[sflag:s12] =	ssyncset.done $0x0  }
0x15: {  	[sflag:s12] =	ssyncadd.s32 $0xFFFFD880  }
0x16: {  	[tilespmem:s3], [sflag:$0x1] =	stream.linear.gather [hbm4b:s7+s3], $0x2780, $0x38;
	[tilespmem:$0x1CC00] =	vst v63  }
0x17: {  	_ =	swait.ge [sflag:s12], $0x2780  }
0x18: {  	[sflag:s12] =	ssyncset.done $0x0  }
0x19: {  	[sflag:s12] =	ssyncadd.s32 $0xFFFFD880  }
0x1a: {  	[tilespmem:s13], [sflag:$0x1] =	stream.linear.gather [hbm4b:s8+s3], $0x2780, $0x38;
	[tilespmem:$0x1CC00] =	vst v63  }
0x1b: {  	_ =	swait.ge [sflag:s12], $0x2780  }
0x1c: {  	[sflag:s12] =	ssyncset.done $0x0  }
0x1d: {  	[sflag:s12] =	ssyncadd.s32 $0xFFFFD880  }
0x1e: {  	s17 =	simm.s32 $0x0;
	[bflag:$0x0] =	sbarrier.arrive $0xFFFF  }
0x1f: {  	[tilespmem:s15], [sflag:$0x1] =	stream.indirect.gather [hbm4b:s4+s14], $0x80, s17, s14, $0xb8;
	[tilespmem:$0x1CC00] =	vst v63  }
0x20: {  	_ =	swait.ge [sflag:s12], $0x4000  }
0x21: {  	[sflag:s12] =	ssyncset.done $0x0  }
0x22: {  	s31 =	simm.s32 $0x2800;
	[sflag:s12] =	ssyncadd.s32 $0xFFFFC000  }
0x23: {  	[spmem:s2] =	stream.indirect.scatter.add.f32 [tilespmem:s15], [sflag:$0x1], $0x80, s31, s14, $0xb8;
	[tilespmem:$0x1CC00] =	vst v63  }
0x24: {  	_ =	swait.ge [sflag:s12], $0x4000  }
0x25: {  	s18 =	simm.s32 $0x400;
	s17 =	simm.s32 $0x200;
	[sflag:s12] =	ssyncset.done $0x0  }
.LBB2_2:
0x26: {  	s19 =	sshra.s32 s17, $0x2  }
0x27: {  	[sflag:s12] =	ssyncadd.s32 $0xFFFFC000;
	s17 =	smov.u32 s18;
	s20 =	sadd.s32 $0x200, s18  }
0x28: {  	[tilespmem:s15], [sflag:$0x1] =	stream.indirect.gather [hbm4b:s4+s14], $0x80, s19, s14, $0xb8;
	[tilespmem:$0x1CC00] =	vst v63  }
0x29: {  	p0 =	sne.s32 s18, $0x9C00;
	_ =	swait.ge [sflag:s12], $0x4000  }
.Ltmp0:
0x2a: {  	[sflag:s12] =	ssyncset.done $0x0;
	(pc) =	sbr.rel @p0 .LBB2_2-.Ltmp0, $4  }
0x2b: {  	s18 =	sadd.s32 $0x2800, s19;
	[sflag:s12] =	ssyncadd.s32 $0xFFFFC000  }
0x2c: {  	[spmem:s2] =	stream.indirect.scatter.add.f32 [tilespmem:s15], [sflag:$0x1], $0x80, s18, s14, $0xb8;
	[tilespmem:$0x1CC00] =	vst v63  }
0x2d: {  	_ =	swait.ge [sflag:s12], $0x4000  }
0x2e: {  	s18 =	smov.u32 s20;
	[sflag:s12] =	ssyncset.done $0x0  }
0x2f: {  	s17 =	sshra.s32 s17, $0x2;
	[sflag:s12] =	ssyncadd.s32 $0xFFFFC000  }
0x30: {  	[tilespmem:s15], [sflag:$0x1] =	stream.indirect.gather [hbm4b:s4+s14], $0x80, s17, s14, $0xb8;
	[tilespmem:$0x1CC00] =	vst v63  }
0x31: {  	_ =	swait.ge [sflag:s12], $0x4000  }
0x32: {  	[sflag:s12] =	ssyncset.done $0x0  }
0x33: {  	s17 =	sadd.s32 $0x2800, s17;
	[sflag:s12] =	ssyncadd.s32 $0xFFFFC000  }
0x34: {  	[spmem:s2] =	stream.indirect.scatter.add.f32 [tilespmem:s15], [sflag:$0x1], $0x80, s17, s14, $0xb8;
	[tilespmem:$0x1CC00] =	vst v63  }
0x35: {  	_ =	swait.ge [sflag:s12], $0x4000  }
0x36: {  	s16 =	sadd.s32 $0x1, s16;
	[sflag:s12] =	ssyncset.done $0x0  }
0x37: {  	p0 =	sne.s32 s16, s10;
	[sflag:s12] =	ssyncadd.s32 $0xFFFFC000  }
.Ltmp1:
0x38: {  	[bflag:$0x0] =	sbarrier.arrive $0xFFFF;
	(pc) =	sbr.rel @p0 .LBB2_1-.Ltmp1, $4  }
0x39: {  	[hbm:s9], [sflag:s6] =	dma.local [spmem:s11], $0x2780  }
0x3a: {  	_ =	swait.ge [sflag:s12], $0x2780  }
0x3b: {  	[sflag:s12] =	ssyncset.done $0x0  }
0x3c: {  	[sflag:s12] =	ssyncadd.s32 $0xFFFFD880  }
0x3d: {  	_ =	sfence.sel $0x180000  }
0x3e: {  	[bflag:$0x0] =	sbarrier.arrive $0xFFFF  }
0x3f: {  	p0 =	sne.s32 s1, $0x0;
	_ =	strace $0x9000004A  }
0x40: {  	s0 =	sadd.s32 @!p0 $0x100000, s0;
	[bflag:$0x2] =	sbarrier.arrive $0xFFFF  }
0x41: {  	[sflag:s0] =	ssyncadd.tile.s32 @!p0 $0x1;
	_ =	shalt  }
.Lfunc_end2:
_tile_overlayer_lowered:
.L_overlay_start_2:
0x42: {  	(tag) =	ssettag $0x2  }
0x43: {  	s0 =	rddreg [dreg:$0x0];
	s2 =	stileid.u32  }
0x44: {  	s1 =	rddreg [dreg:$0x1];
	p0 =	sne.s32 s2, $0x0  }
0x45: {  	s3 =	rddreg [dreg:$0x2];
	[bflag:$0x3] =	sbarrier.arrive $0xFFFF;
	s2 =	simm.s32 @!p0 $0x1C01  }
0x46: {  	[timem:s3], [sflag:s2] =	dma.local @!p0 [hbm:s0], s1  }
0x47: {  	s0 =	simm.s32 @!p0 $0x1  }
0x48: {  	_ =	swait.ge @!p0 [sflag:s0], s1  }
0x49: {  	s1 =	ssub.s32 @!p0 $0x0, s1;
	[sflag:s0] =	ssyncset.done @!p0 $0x0  }
0x4a: {  	[sflag:s0] =	ssyncadd.s32 @!p0 s1  }
0x4b: {  	[bflag:$0x3] =	sbarrier.arrive $0xFFFF  }
0x4c: {  	_ =	shalt  }

// kernel: kernel.14.cloned.1.call-start
scs
__scs_entry_jumppad:
0x0: {  	(pc) =	sbr.rel $0x88, $3  }
0x1: {  	(tag) =	ssettag $0x0;
	lr =	simm.s32 $0x1  }
0x2: {  	[smem:$0x3F9B] =	sst lr;
	_ =	strace $0xD0000000  }
0x3: {  	_ = 	snop  }
0x4: {  	_ = 	snop  }
0x5: {  	_ = 	snop  }
0x6: {  	_ = 	snop  }
0x7: {  	_ = 	snop  }
__scs_overlays_trampoline_lowered:
0x8: {  	[smem:$0x3FAA] =	sst s0  }
0x9: {  	[smem:$0x3FAB] =	sst s1  }
0xa: {  	[smem:$0x3FAC] =	sst s2  }
0xb: {  	[smem:$0x3FAD] =	sst s3  }
0xc: {  	[smem:$0x3FAE] =	sst s4  }
0xd: {  	[smem:$0x3FAF] =	sst s5  }
0xe: {  	[smem:$0x3FB0] =	sst s6  }
0xf: {  	[smem:$0x3FB1] =	sst s7  }
0x10: {  	[smem:$0x3FB2] =	sst s8  }
0x11: {  	[smem:$0x3FB3] =	sst s9;
	s0 =	simm.s32 @!p0 $0x0  }
0x12: {  	s1 =	sld [smem:$0x3F99];
	s0 =	simm.s32 @p0 $0x1  }
0x13: {  	[smem:$0x3FB4] =	sst s0;
	s0 =	simm.s32 @!p1 $0x0  }
0x14: {  	s2 =	sld [smem:$0x3F98];
	s0 =	simm.s32 @p1 $0x1  }
0x15: {  	[smem:$0x3FB5] =	sst s0;
	s0 =	simm.s32 @!p2 $0x0  }
0x16: {  	s3 =	sld [smem:$0x3FDB];
	s0 =	simm.s32 @p2 $0x1  }
0x17: {  	s4 =	simm.s32 $0x1BF5;
	[smem:$0x3FB7] =	sst s0  }
0x18: {  	s0 =	sld [smem:$0x3F9A];
	_ =	swait.ge [sflag:s4], $0x0  }
0x19: {  	s7 =	sld [smem:$0x3F9B]  }
0x1a: {  	s8 =	sadd.s32 $0xFFFFE003, lr  }
0x1b: {  	s9 =	sadd.s32 $0xFFFFFEF7, lr;
	s5 =	simm.s32 $0xFFFFFFFF;
	p2 =	slt.u32 s8, $0xFFFFF086  }
0x1c: {  	p1 =	slt.u32 s9, $0xF7A;
	s5 =	simm.s32 @!p2 $0x0  }
0x1d: {  	s5 =	simm.s32 @p1 $0x1;
	p0 =	seq.s32 s7, s2  }
0x1e: {  	s7 =	smul.u32 @!p0 $0xF7A, s2;
	p2 =	seq.s32 @!p0 s5, $0x0  }
0x1f: {  	s9 =	smul.u32 $0xF7A, s1;
	s8 =	simm.s32 @!p0 $0x1BF5;
	p2 =	por !p2, p0  }
0x20: {  	[sflag:s8] =	ssyncset.s32 @!p0 $0xFFFFF086;
	s6 =	sadd.s32 @!p0 s3, s7;
	s7 =	simm.s32 @!p0 $0x108  }
0x21: {  	s3 =	sadd.s32 s3, s9;
	s6 =	sadd.s32 @!p0 $0x88, s6;
	s7 =	simm.s32 @p2 $0x1082  }
0x22: {  	[simem:s7], [sflag:s8] =	dma.local @!p0 [hbm:s6], $0xF7A  }
0x23: {  	s9 =	sor.u32 $0xD0000000, s2;
	s6 =	simm.s32 $0x108;
	_ =	swait.ge @!p0 [sflag:s8], $0x0  }
0x24: {  	s3 =	sadd.s32 $0x88, s3;
	s6 =	simm.s32 @!p1 $0x1082;
	[sflag:s4] =	ssyncset.s32 $0xFFFFF086  }
0x25: {  	[simem:s6], [sflag:s4] =	dma.local [hbm:s3], $0xF7A  }
0x26: {  	[smem:$0x3F9B] =	sst s1;
	(tag) =	ssettag s2;
	_ =	strace s9  }
0x27: {  	s1 =	sld [smem:$0x3FAB]  }
0x28: {  	s2 =	sld [smem:$0x3FAC]  }
0x29: {  	s4 =	sld [smem:$0x3FAE]  }
0x2a: {  	p0 =	seq.s32 s5, $0x0;
	s5 =	sld [smem:$0x3FAF]  }
0x2b: {  	s6 =	sld [smem:$0x3FB0]  }
0x2c: {  	s7 =	sld [smem:$0x3FB1]  }
0x2d: {  	s3 =	simm.s32 $0x108;
	s8 =	sld [smem:$0x3FB2]  }
0x2e: {  	s3 =	simm.s32 @!p0 $0x1082;
	s9 =	sld [smem:$0x3FB3]  }
0x2f: {  	lr =	sadd.s32 s0, s3;
	s0 =	sld [smem:$0x3FAA]  }
0x30: {  	s3 =	sld [smem:$0x3FAD]  }
0x31: {  	[smem:$0x3FB6] =	sst s10  }
0x32: {  	s10 =	sld [smem:$0x3FB4];
	_ =	sdelay $0x3  }
0x33: {  	p0 =	seq.s32 s10, $0x1;
	s10 =	sld [smem:$0x3FB6];
	_ =	sdelay $0x3  }
0x34: {  	[smem:$0x3FB6] =	sst s10  }
0x35: {  	s10 =	sld [smem:$0x3FB5];
	_ =	sdelay $0x3  }
0x36: {  	p1 =	seq.s32 s10, $0x1;
	s10 =	sld [smem:$0x3FB6];
	_ =	sdelay $0x3  }
0x37: {  	[smem:$0x3FB6] =	sst s10  }
0x38: {  	s10 =	sld [smem:$0x3FB7]  }
0x39: {  	_ = 	snop;
	(pc) =	sbr.ind lr, $3  }
0x3a: {  	_ = 	snop  }
0x3b: {  	_ = 	snop  }
0x3c: {  	p2 =	seq.s32 s10, $0x1;
	s10 =	sld [smem:$0x3FB6]  }
0x3d: {  	_ =	shalt  }
0x3e: {  	_ =	shalt  }
0x3f: {  	_ =	shalt  }
0x40: {  	_ =	shalt  }
0x41: {  	_ =	shalt  }
0x42: {  	_ =	shalt  }
0x43: {  	_ =	shalt  }
0x44: {  	_ =	shalt  }
0x45: {  	_ =	shalt  }
0x46: {  	_ =	shalt  }
0x47: {  	_ =	shalt  }
0x48: {  	_ =	shalt  }
0x49: {  	_ =	shalt  }
0x4a: {  	_ =	shalt  }
0x4b: {  	_ =	shalt  }
0x4c: {  	_ =	shalt  }
0x4d: {  	_ =	shalt  }
0x4e: {  	_ =	shalt  }
0x4f: {  	_ =	shalt  }
0x50: {  	_ =	shalt  }
0x51: {  	_ =	shalt  }
0x52: {  	_ =	shalt  }
0x53: {  	_ =	shalt  }
0x54: {  	_ =	shalt  }
0x55: {  	_ =	shalt  }
0x56: {  	_ =	shalt  }
0x57: {  	_ =	shalt  }
0x58: {  	_ =	shalt  }
0x59: {  	_ =	shalt  }
0x5a: {  	_ =	shalt  }
0x5b: {  	_ =	shalt  }
0x5c: {  	_ =	shalt  }
0x5d: {  	_ =	shalt  }
0x5e: {  	_ =	shalt  }
0x5f: {  	_ =	shalt  }
0x60: {  	_ =	shalt  }
0x61: {  	_ =	shalt  }
0x62: {  	_ =	shalt  }
0x63: {  	_ =	shalt  }
0x64: {  	_ =	shalt  }
0x65: {  	_ =	shalt  }
0x66: {  	_ =	shalt  }
0x67: {  	_ =	shalt  }
0x68: {  	_ =	shalt  }
0x69: {  	_ =	shalt  }
0x6a: {  	_ =	shalt  }
0x6b: {  	_ =	shalt  }
0x6c: {  	_ =	shalt  }
0x6d: {  	_ =	shalt  }
0x6e: {  	_ =	shalt  }
0x6f: {  	_ =	shalt  }
0x70: {  	_ =	shalt  }
0x71: {  	_ =	shalt  }
0x72: {  	_ =	shalt  }
0x73: {  	_ =	shalt  }
0x74: {  	_ =	shalt  }
0x75: {  	_ =	shalt  }
0x76: {  	_ =	shalt  }
0x77: {  	_ =	shalt  }
0x78: {  	_ =	shalt  }
0x79: {  	_ =	shalt  }
0x7a: {  	_ =	shalt  }
0x7b: {  	_ =	shalt  }
0x7c: {  	_ =	shalt  }
0x7d: {  	_ =	shalt  }
0x7e: {  	_ =	shalt  }
0x7f: {  	_ =	shalt  }
0x80: {  	_ =	shalt  }
0x81: {  	_ =	shalt  }
0x82: {  	_ =	shalt  }
0x83: {  	_ =	shalt  }
0x84: {  	_ =	shalt  }
0x85: {  	_ =	shalt  }
0x86: {  	_ =	shalt  }
0x87: {  	_ =	shalt  }
.Lfunc_end0:
.L_simem_size_0:
called_computation.2_lowered:
.L_overlay_start_0:
0x88: {  	s2 =	sld [smem:$0x3FD9]  }
0x89: {  	s3 =	sld [smem:$0x3FFE];
	_ =	sdelay $0x1  }
0x8a: {  	s1 =	srdreg.scid  }
0x8b: {  	s0 =	sand.u32 $0x1, s1  }
0x8c: {  	s16 =	sshll.u32 s0, $0xA;
	s2 =	sadd.s32 s3, s2  }
0x8d: {  	s2 =	sadd.s32 s2, s16  }
0x8e: {  	[smem:$0x3FC2] =	sst s2  }
0x8f: {  	_ = 	snop  }
0x90: {  	(tm) =	ssettm $0x1  }
0x91: {  	s17 =	sld [smem:$0x3FFB];
	_ =	sdelay $0x3  }
0x92: {  	_ =	strace s17  }
0x93: {  	s2 =	sld [smem:$0x3FFC];
	_ =	sdelay $0x3  }
0x94: {  	_ =	strace s2  }
0x95: {  	s2 =	sld [smem:$0x3FFD];
	_ =	sdelay $0x3  }
0x96: {  	_ =	strace s2  }
0x97: {  	_ =	strace $0x8FFFFFFF  }
0x98: {  	s18 =	sld [smem:$0x3FDB];
	_ =	sdelay $0x1  }
0x99: {  	s19 =	simm.s32 $_scs_section_size  }
0x9a: {  	s4 =	simm.s32 $_size__tile_overlayer_lowered;
	s5 =	simm.s32 $_tile_overlayer_lowered  }
0x9b: {  	s22 =	simm.s32 $0x1BFF;
	s21 =	sshll.u32 s5, $0x1;
	s2 =	sadd.s32 s19, s18  }
0x9c: {  	s6 =	simm.s32 $0x0;
	s20 =	sshll.u32 s4, $0x1;
	s4 =	sadd.s32 s21, s2  }
0x9d: {  	[timem:s6], [sflag:s22] =	dma.local [hbm:s4], s20  }
0x9e: {  	_ =	swait.ge [sflag:s22], s20  }
0x9f: {  	s3 =	ssub.s32 $0x0, s20;
	[sflag:s22] =	ssyncset.done $0x0  }
0xa0: {  	[sflag:s22] =	ssyncadd.s32 s3;
	_ =	sdelay $0x1  }
0xa1: {  	s23 =	simm.s32 $0x1B8B  }
0xa2: {  	_ =	swait.ge [sflag:s23], $0x1  }
0xa3: {  	[sflag:s23] =	ssyncset.done $0x0  }
0xa4: {  	s25 =	simm.s32 $0x1B8E;
	s24 =	sld [smem:$0x3FFE];
	[sflag:s23] =	ssyncadd.s32 $0xFFFFFFFF  }
0xa5: {  	s26 =	simm.s32 $execute0_lowered;
	[smem:$0x3FD2] =	sst s25  }
0xa6: {  	s4 =	sshll.u32 s26, $0x1;
	_ =	strace $0x8000004C;
	[dreg:$0x1] =	wrdreg $0xFFFFFFFF  }
0xa7: {  	s28 =	simm.s32 $_size_execute0_lowered;
	s2 =	sadd.s32 s2, s4;
	[dreg:$0x0] =	wrdreg $0x0  }
0xa8: {  	s4 =	sshll.u32 s28, $0x1;
	[dreg:$0x2] =	wrdreg s2  }
0xa9: {  	[dreg:$0x3] =	wrdreg s4  }
0xaa: {  	[dreg:$0x4] =	wrdreg $0xC0  }
0xab: {  	_ =	task [dreg:s6], $0x5FFFF  }
0xac: {  	[dreg:$0x1] =	wrdreg $0xFFFFFFFF  }
0xad: {  	[dreg:$0x0] =	wrdreg $0x60  }
0xae: {  	[dreg:$0x2] =	wrdreg s24  }
0xaf: {  	[dreg:$0x3] =	wrdreg $0x68000  }
0xb0: {  	[dreg:$0x4] =	wrdreg $0x9  }
0xb1: {  	_ =	task.clear_ibuf [dreg:s6], $0x5FFFF;
	_ =	strace $0x9000004C  }
0xb2: {  	s29 =	simm.s32 $0x9;
	_ =	strace $0x8000004E  }
0xb3: {  	_ =	swait.ge [sflag:s29], $0x1  }
0xb4: {  	[sflag:s29] =	ssyncadd.s32 $0xFFFFFFFF  }
0xb5: {  	_ =	strace $0x9000004E  }
0xb6: {  	_ =	sfence  }
0xb7: {  	s30 =	sld [smem:$0x0];
	_ =	sdelay $0x2  }
0xb8: {  	s31 =	sshll.u32 s1, $0xD;
	s1 =	sshrl.u32 s1, $0x2  }
0xb9: {  	s3 =	sand.u32 $0x4000, s31;
	s1 =	sadd.s32 s1, s30  }
0xba: {  	s0 =	sor.u32 s3, s0;
	s1 =	sshll.u32 s1, $0x11  }
0xbb: {  	s0 =	sor.u32 s1, s0  }
0xbc: {  	s0 =	sadd.s32 $0x8F2B, s0  }
0xbd: {  	[sflag:s0] =	ssyncadd.remote.s32 $0x1  }
0xbe: {  	_ =	sfence.sel $0xFFFF  }
0xbf: {  	[dreg:$0x0] =	wrdreg $0xFFFFFFFF;
	(pc) =	sbr.abs _section_cstart, $3  }
0xc0: {  	[dreg:$0x1] =	wrdreg $0xFFFFFFFF  }
0xc1: {  	_ =	task.clear_ibuf [dreg:s6], $0x2FFFF;
	_ =	strace $0x9FFFFFFF  }
0xc2: {  	(tm) =	ssettm $0x7FFFFFFF  }
0xc3: {  	_ =	shalt  }
tec
execute0_lowered:
.L_overlay_start_1:
0x0: {  	(tag) =	ssettag $0x1  }
0x1: {  	s6 =	rddreg [dreg:$0x0]  }
0x2: {  	s0 =	srdreg.scid;
	s2 =	rddreg [dreg:$0x1];
	s3 =	simm.s32 $0x0  }
0x3: {  	s14 =	simm.s32 $0x80;
	s5 =	sand.u32 $0x1, s0;
	s0 =	stileid.u32  }
0x4: {  	s15 =	simm.s32 $0x2800;
	s16 =	simm.s32 $0x0;
	s8 =	smul.u32 $0x13C00, s0  }
0x5: {  	[smem:$0x7FF] =	sst s3;
	s4 =	sadd.s32 $0x7E400, s6;
	s9 =	smul.u32 $0x13C000, s5  }
0x6: {  	s1 =	sshll.u32 s5, $0x4;
	s28 =	smul.u32 $0x4F000, s0;
	s5 =	ssub.s32 $0x2, s5  }
0x7: {  	s31 =	sshll.u32 s0, $0x6;
	s1 =	sor.u32 s0, s1;
	s29 =	sshrl.u32 s5, $0x1  }
0x8: {  	s7 =	smul.u32 $0x280, s1;
	s1 =	rddreg [dreg:$0x2];
	_ =	strace $0x8000004D  }
0x9: {  	s26 =	sshrl.u32 s8, $0x3;
	s8 =	sadd.s32 s8, s9;
	s30 =	sshrl.u32 s28, $0x2  }
0xa: {  	s12 =	ssub.s32 s5, s29;
	s8 =	sshrl.u32 s8, $0x3;
	s13 =	sadd.s32 s30, s2  }
0xb: {  	s10 =	sadd.s32 s7, s6;
	s7 =	sadd.s32 s26, s6;
	s11 =	sadd.s32 s8, s6  }
0xc: {  	s6 =	sor.u32 $0x1C01, s31;
	s5 =	sadd.s32 $0x7400, s7;
	s7 =	sadd.s32 $0x20AC00, s10  }
0xd: {  	s8 =	sadd.s32 $0x2400, s10;
	s9 =	sadd.s32 $0x1B6C00, s11;
	s10 =	smax.u32 s12, $0x1  }
0xe: {  	s11 =	sshrl.u32 s13, $0x3;
	s12 =	simm.s32 $0x1;
	s13 =	simm.s32 $0x1400  }
.LBB2_1:
0xf: {  	[spmem:s11], [sflag:s6] =	dma.local [hbm:s5], $0x2780  }
0x10: {  	_ =	swait.ge [sflag:s12], $0x2780  }
0x11: {  	[sflag:s12] =	ssyncset.done $0x0  }
0x12: {  	[sflag:s12] =	ssyncadd.s32 $0xFFFFD880  }
0x13: {  	[tilespmem:s3], [sflag:$0x1] =	stream.linear.gather [hbm4b:s7+s3], $0x1400, $0x38;
	[tilespmem:$0x1A400] =	vst v63  }
0x14: {  	_ =	swait.ge [sflag:s12], $0x1400  }
0x15: {  	[sflag:s12] =	ssyncset.done $0x0  }
0x16: {  	[sflag:s12] =	ssyncadd.s32 $0xFFFFEC00  }
0x17: {  	[tilespmem:s13], [sflag:$0x1] =	stream.linear.gather [hbm4b:s8+s3], $0x1400, $0x38;
	[tilespmem:$0x1A400] =	vst v63  }
0x18: {  	_ =	swait.ge [sflag:s12], $0x1400  }
0x19: {  	[sflag:s12] =	ssyncset.done $0x0  }
0x1a: {  	[sflag:s12] =	ssyncadd.s32 $0xFFFFEC00  }
0x1b: {  	s17 =	simm.s32 $0x0;
	[bflag:$0x0] =	sbarrier.arrive $0xFFFF  }
0x1c: {  	[tilespmem:s15], [sflag:$0x1] =	stream.indirect.gather [hbm4b:s4+s14], $0x80, s17, s14, $0xb8;
	[tilespmem:$0x1A400] =	vst v63  }
0x1d: {  	_ =	swait.ge [sflag:s12], $0x4000  }
0x1e: {  	[sflag:s12] =	ssyncset.done $0x0  }
0x1f: {  	s31 =	simm.s32 $0x1400;
	[sflag:s12] =	ssyncadd.s32 $0xFFFFC000  }
0x20: {  	[spmem:s2] =	stream.indirect.scatter.add.f32 [tilespmem:s15], [sflag:$0x1], $0x80, s31, s14, $0xb8;
	[tilespmem:$0x1A400] =	vst v63  }
0x21: {  	_ =	swait.ge [sflag:s12], $0x4000  }
0x22: {  	s18 =	simm.s32 $0x400;
	s17 =	simm.s32 $0x200;
	[sflag:s12] =	ssyncset.done $0x0  }
.LBB2_2:
0x23: {  	s19 =	sshra.s32 s17, $0x2  }
0x24: {  	[sflag:s12] =	ssyncadd.s32 $0xFFFFC000;
	s17 =	smov.u32 s18;
	s20 =	sadd.s32 $0x200, s18  }
0x25: {  	[tilespmem:s15], [sflag:$0x1] =	stream.indirect.gather [hbm4b:s4+s14], $0x80, s19, s14, $0xb8;
	[tilespmem:$0x1A400] =	vst v63  }
0x26: {  	p0 =	sne.s32 s18, $0x4E00;
	_ =	swait.ge [sflag:s12], $0x4000  }
.Ltmp0:
0x27: {  	[sflag:s12] =	ssyncset.done $0x0;
	(pc) =	sbr.rel @p0 .LBB2_2-.Ltmp0, $4  }
0x28: {  	s18 =	sadd.s32 $0x1400, s19;
	[sflag:s12] =	ssyncadd.s32 $0xFFFFC000  }
0x29: {  	[spmem:s2] =	stream.indirect.scatter.add.f32 [tilespmem:s15], [sflag:$0x1], $0x80, s18, s14, $0xb8;
	[tilespmem:$0x1A400] =	vst v63  }
0x2a: {  	_ =	swait.ge [sflag:s12], $0x4000  }
0x2b: {  	s18 =	smov.u32 s20;
	[sflag:s12] =	ssyncset.done $0x0  }
0x2c: {  	s17 =	sshra.s32 s17, $0x2;
	[sflag:s12] =	ssyncadd.s32 $0xFFFFC000  }
0x2d: {  	[tilespmem:s15], [sflag:$0x1] =	stream.indirect.gather [hbm4b:s4+s14], $0x80, s17, s14, $0xb8;
	[tilespmem:$0x1A400] =	vst v63  }
0x2e: {  	_ =	swait.ge [sflag:s12], $0x4000  }
0x2f: {  	[sflag:s12] =	ssyncset.done $0x0  }
0x30: {  	s17 =	sadd.s32 $0x1400, s17;
	[sflag:s12] =	ssyncadd.s32 $0xFFFFC000  }
0x31: {  	[spmem:s2] =	stream.indirect.scatter.add.f32 [tilespmem:s15], [sflag:$0x1], $0x80, s17, s14, $0xb8;
	[tilespmem:$0x1A400] =	vst v63  }
0x32: {  	_ =	swait.ge [sflag:s12], $0x4000  }
0x33: {  	s16 =	sadd.s32 $0x1, s16;
	[sflag:s12] =	ssyncset.done $0x0  }
0x34: {  	p0 =	sne.s32 s16, s10;
	[sflag:s12] =	ssyncadd.s32 $0xFFFFC000  }
.Ltmp1:
0x35: {  	[bflag:$0x0] =	sbarrier.arrive $0xFFFF;
	(pc) =	sbr.rel @p0 .LBB2_1-.Ltmp1, $4  }
0x36: {  	[hbm:s9], [sflag:s6] =	dma.local [spmem:s11], $0x2780  }
0x37: {  	_ =	swait.ge [sflag:s12], $0x2780  }
0x38: {  	[sflag:s12] =	ssyncset.done $0x0  }
0x39: {  	[sflag:s12] =	ssyncadd.s32 $0xFFFFD880  }
0x3a: {  	_ =	sfence.sel $0x180000  }
0x3b: {  	[bflag:$0x0] =	sbarrier.arrive $0xFFFF  }
0x3c: {  	p0 =	sne.s32 s0, $0x0;
	_ =	strace $0x9000004D  }
0x3d: {  	s0 =	sadd.s32 @!p0 $0x100000, s1;
	[bflag:$0x2] =	sbarrier.arrive $0xFFFF  }
0x3e: {  	[sflag:s0] =	ssyncadd.tile.s32 @!p0 $0x1;
	_ =	shalt  }
.Lfunc_end2:
_tile_overlayer_lowered:
.L_overlay_start_2:
0x3f: {  	(tag) =	ssettag $0x2  }
0x40: {  	s0 =	rddreg [dreg:$0x0];
	s2 =	stileid.u32  }
0x41: {  	s1 =	rddreg [dreg:$0x1];
	p0 =	sne.s32 s2, $0x0  }
0x42: {  	s3 =	rddreg [dreg:$0x2];
	[bflag:$0x3] =	sbarrier.arrive $0xFFFF;
	s2 =	simm.s32 @!p0 $0x1C01  }
0x43: {  	[timem:s3], [sflag:s2] =	dma.local @!p0 [hbm:s0], s1  }
0x44: {  	s0 =	simm.s32 @!p0 $0x1  }
0x45: {  	_ =	swait.ge @!p0 [sflag:s0], s1  }
0x46: {  	s1 =	ssub.s32 @!p0 $0x0, s1;
	[sflag:s0] =	ssyncset.done @!p0 $0x0  }
0x47: {  	[sflag:s0] =	ssyncadd.s32 @!p0 s1  }
0x48: {  	[bflag:$0x3] =	sbarrier.arrive $0xFFFF  }
0x49: {  	_ =	shalt  }

// kernel: kernel.8.cloned.1.call-start
scs
__scs_entry_jumppad:
0x0: {  	(pc) =	sbr.rel $0x88, $3  }
0x1: {  	(tag) =	ssettag $0x0;
	lr =	simm.s32 $0x1  }
0x2: {  	[smem:$0x3F9B] =	sst lr;
	_ =	strace $0xD0000000  }
0x3: {  	_ = 	snop  }
0x4: {  	_ = 	snop  }
0x5: {  	_ = 	snop  }
0x6: {  	_ = 	snop  }
0x7: {  	_ = 	snop  }
__scs_overlays_trampoline_lowered:
0x8: {  	[smem:$0x3FAA] =	sst s0  }
0x9: {  	[smem:$0x3FAB] =	sst s1  }
0xa: {  	[smem:$0x3FAC] =	sst s2  }
0xb: {  	[smem:$0x3FAD] =	sst s3  }
0xc: {  	[smem:$0x3FAE] =	sst s4  }
0xd: {  	[smem:$0x3FAF] =	sst s5  }
0xe: {  	[smem:$0x3FB0] =	sst s6  }
0xf: {  	[smem:$0x3FB1] =	sst s7  }
0x10: {  	[smem:$0x3FB2] =	sst s8  }
0x11: {  	[smem:$0x3FB3] =	sst s9;
	s0 =	simm.s32 @!p0 $0x0  }
0x12: {  	s1 =	sld [smem:$0x3F99];
	s0 =	simm.s32 @p0 $0x1  }
0x13: {  	[smem:$0x3FB4] =	sst s0;
	s0 =	simm.s32 @!p1 $0x0  }
0x14: {  	s2 =	sld [smem:$0x3F98];
	s0 =	simm.s32 @p1 $0x1  }
0x15: {  	[smem:$0x3FB5] =	sst s0;
	s0 =	simm.s32 @!p2 $0x0  }
0x16: {  	s3 =	sld [smem:$0x3FDB];
	s0 =	simm.s32 @p2 $0x1  }
0x17: {  	s4 =	simm.s32 $0x1BF5;
	[smem:$0x3FB7] =	sst s0  }
0x18: {  	s0 =	sld [smem:$0x3F9A];
	_ =	swait.ge [sflag:s4], $0x0  }
0x19: {  	s7 =	sld [smem:$0x3F9B]  }
0x1a: {  	s8 =	sadd.s32 $0xFFFFE003, lr  }
0x1b: {  	s9 =	sadd.s32 $0xFFFFFEF7, lr;
	s5 =	simm.s32 $0xFFFFFFFF;
	p2 =	slt.u32 s8, $0xFFFFF086  }
0x1c: {  	p1 =	slt.u32 s9, $0xF7A;
	s5 =	simm.s32 @!p2 $0x0  }
0x1d: {  	s5 =	simm.s32 @p1 $0x1;
	p0 =	seq.s32 s7, s2  }
0x1e: {  	s7 =	smul.u32 @!p0 $0xF7A, s2;
	p2 =	seq.s32 @!p0 s5, $0x0  }
0x1f: {  	s9 =	smul.u32 $0xF7A, s1;
	s8 =	simm.s32 @!p0 $0x1BF5;
	p2 =	por !p2, p0  }
0x20: {  	[sflag:s8] =	ssyncset.s32 @!p0 $0xFFFFF086;
	s6 =	sadd.s32 @!p0 s3, s7;
	s7 =	simm.s32 @!p0 $0x108  }
0x21: {  	s3 =	sadd.s32 s3, s9;
	s6 =	sadd.s32 @!p0 $0x88, s6;
	s7 =	simm.s32 @p2 $0x1082  }
0x22: {  	[simem:s7], [sflag:s8] =	dma.local @!p0 [hbm:s6], $0xF7A  }
0x23: {  	s9 =	sor.u32 $0xD0000000, s2;
	s6 =	simm.s32 $0x108;
	_ =	swait.ge @!p0 [sflag:s8], $0x0  }
0x24: {  	s3 =	sadd.s32 $0x88, s3;
	s6 =	simm.s32 @!p1 $0x1082;
	[sflag:s4] =	ssyncset.s32 $0xFFFFF086  }
0x25: {  	[simem:s6], [sflag:s4] =	dma.local [hbm:s3], $0xF7A  }
0x26: {  	[smem:$0x3F9B] =	sst s1;
	(tag) =	ssettag s2;
	_ =	strace s9  }
0x27: {  	s1 =	sld [smem:$0x3FAB]  }
0x28: {  	s2 =	sld [smem:$0x3FAC]  }
0x29: {  	s4 =	sld [smem:$0x3FAE]  }
0x2a: {  	p0 =	seq.s32 s5, $0x0;
	s5 =	sld [smem:$0x3FAF]  }
0x2b: {  	s6 =	sld [smem:$0x3FB0]  }
0x2c: {  	s7 =	sld [smem:$0x3FB1]  }
0x2d: {  	s3 =	simm.s32 $0x108;
	s8 =	sld [smem:$0x3FB2]  }
0x2e: {  	s3 =	simm.s32 @!p0 $0x1082;
	s9 =	sld [smem:$0x3FB3]  }
0x2f: {  	lr =	sadd.s32 s0, s3;
	s0 =	sld [smem:$0x3FAA]  }
0x30: {  	s3 =	sld [smem:$0x3FAD]  }
0x31: {  	[smem:$0x3FB6] =	sst s10  }
0x32: {  	s10 =	sld [smem:$0x3FB4];
	_ =	sdelay $0x3  }
0x33: {  	p0 =	seq.s32 s10, $0x1;
	s10 =	sld [smem:$0x3FB6];
	_ =	sdelay $0x3  }
0x34: {  	[smem:$0x3FB6] =	sst s10  }
0x35: {  	s10 =	sld [smem:$0x3FB5];
	_ =	sdelay $0x3  }
0x36: {  	p1 =	seq.s32 s10, $0x1;
	s10 =	sld [smem:$0x3FB6];
	_ =	sdelay $0x3  }
0x37: {  	[smem:$0x3FB6] =	sst s10  }
0x38: {  	s10 =	sld [smem:$0x3FB7]  }
0x39: {  	_ = 	snop;
	(pc) =	sbr.ind lr, $3  }
0x3a: {  	_ = 	snop  }
0x3b: {  	_ = 	snop  }
0x3c: {  	p2 =	seq.s32 s10, $0x1;
	s10 =	sld [smem:$0x3FB6]  }
0x3d: {  	_ =	shalt  }
0x3e: {  	_ =	shalt  }
0x3f: {  	_ =	shalt  }
0x40: {  	_ =	shalt  }
0x41: {  	_ =	shalt  }
0x42: {  	_ =	shalt  }
0x43: {  	_ =	shalt  }
0x44: {  	_ =	shalt  }
0x45: {  	_ =	shalt  }
0x46: {  	_ =	shalt  }
0x47: {  	_ =	shalt  }
0x48: {  	_ =	shalt  }
0x49: {  	_ =	shalt  }
0x4a: {  	_ =	shalt  }
0x4b: {  	_ =	shalt  }
0x4c: {  	_ =	shalt  }
0x4d: {  	_ =	shalt  }
0x4e: {  	_ =	shalt  }
0x4f: {  	_ =	shalt  }
0x50: {  	_ =	shalt  }
0x51: {  	_ =	shalt  }
0x52: {  	_ =	shalt  }
0x53: {  	_ =	shalt  }
0x54: {  	_ =	shalt  }
0x55: {  	_ =	shalt  }
0x56: {  	_ =	shalt  }
0x57: {  	_ =	shalt  }
0x58: {  	_ =	shalt  }
0x59: {  	_ =	shalt  }
0x5a: {  	_ =	shalt  }
0x5b: {  	_ =	shalt  }
0x5c: {  	_ =	shalt  }
0x5d: {  	_ =	shalt  }
0x5e: {  	_ =	shalt  }
0x5f: {  	_ =	shalt  }
0x60: {  	_ =	shalt  }
0x61: {  	_ =	shalt  }
0x62: {  	_ =	shalt  }
0x63: {  	_ =	shalt  }
0x64: {  	_ =	shalt  }
0x65: {  	_ =	shalt  }
0x66: {  	_ =	shalt  }
0x67: {  	_ =	shalt  }
0x68: {  	_ =	shalt  }
0x69: {  	_ =	shalt  }
0x6a: {  	_ =	shalt  }
0x6b: {  	_ =	shalt  }
0x6c: {  	_ =	shalt  }
0x6d: {  	_ =	shalt  }
0x6e: {  	_ =	shalt  }
0x6f: {  	_ =	shalt  }
0x70: {  	_ =	shalt  }
0x71: {  	_ =	shalt  }
0x72: {  	_ =	shalt  }
0x73: {  	_ =	shalt  }
0x74: {  	_ =	shalt  }
0x75: {  	_ =	shalt  }
0x76: {  	_ =	shalt  }
0x77: {  	_ =	shalt  }
0x78: {  	_ =	shalt  }
0x79: {  	_ =	shalt  }
0x7a: {  	_ =	shalt  }
0x7b: {  	_ =	shalt  }
0x7c: {  	_ =	shalt  }
0x7d: {  	_ =	shalt  }
0x7e: {  	_ =	shalt  }
0x7f: {  	_ =	shalt  }
0x80: {  	_ =	shalt  }
0x81: {  	_ =	shalt  }
0x82: {  	_ =	shalt  }
0x83: {  	_ =	shalt  }
0x84: {  	_ =	shalt  }
0x85: {  	_ =	shalt  }
0x86: {  	_ =	shalt  }
0x87: {  	_ =	shalt  }
.Lfunc_end0:
.L_simem_size_0:
called_computation_lowered:
.L_overlay_start_0:
0x88: {  	s2 =	sld [smem:$0x3FD9]  }
0x89: {  	s3 =	sld [smem:$0x3FFE];
	_ =	sdelay $0x1  }
0x8a: {  	s1 =	srdreg.scid  }
0x8b: {  	s0 =	sand.u32 $0x1, s1  }
0x8c: {  	s16 =	sshll.u32 s0, $0xA;
	s2 =	sadd.s32 s3, s2  }
0x8d: {  	s2 =	sadd.s32 s2, s16  }
0x8e: {  	[smem:$0x3FC2] =	sst s2  }
0x8f: {  	_ = 	snop  }
0x90: {  	(tm) =	ssettm $0x1  }
0x91: {  	s17 =	sld [smem:$0x3FFB];
	_ =	sdelay $0x3  }
0x92: {  	_ =	strace s17  }
0x93: {  	s2 =	sld [smem:$0x3FFC];
	_ =	sdelay $0x3  }
0x94: {  	_ =	strace s2  }
0x95: {  	s2 =	sld [smem:$0x3FFD];
	_ =	sdelay $0x3  }
0x96: {  	_ =	strace s2  }
0x97: {  	_ =	strace $0x8FFFFFFF  }
0x98: {  	s18 =	sld [smem:$0x3FDB];
	_ =	sdelay $0x1  }
0x99: {  	s19 =	simm.s32 $_scs_section_size  }
0x9a: {  	s4 =	simm.s32 $_size__tile_overlayer_lowered;
	s5 =	simm.s32 $_tile_overlayer_lowered  }
0x9b: {  	s22 =	simm.s32 $0x1BFF;
	s21 =	sshll.u32 s5, $0x1;
	s2 =	sadd.s32 s19, s18  }
0x9c: {  	s6 =	simm.s32 $0x0;
	s20 =	sshll.u32 s4, $0x1;
	s4 =	sadd.s32 s21, s2  }
0x9d: {  	[timem:s6], [sflag:s22] =	dma.local [hbm:s4], s20  }
0x9e: {  	_ =	swait.ge [sflag:s22], s20  }
0x9f: {  	s3 =	ssub.s32 $0x0, s20;
	[sflag:s22] =	ssyncset.done $0x0  }
0xa0: {  	[sflag:s22] =	ssyncadd.s32 s3;
	_ =	sdelay $0x1  }
0xa1: {  	s23 =	simm.s32 $0x1B8B  }
0xa2: {  	_ =	swait.ge [sflag:s23], $0x1  }
0xa3: {  	[sflag:s23] =	ssyncset.done $0x0  }
0xa4: {  	s25 =	simm.s32 $0x1B8E;
	s24 =	sld [smem:$0x3FFE];
	[sflag:s23] =	ssyncadd.s32 $0xFFFFFFFF  }
0xa5: {  	s26 =	simm.s32 $execute0_lowered;
	[smem:$0x3FD2] =	sst s25  }
0xa6: {  	s4 =	sshll.u32 s26, $0x1;
	_ =	strace $0x80000046;
	[dreg:$0x1] =	wrdreg $0xFFFFFFFF  }
0xa7: {  	s28 =	simm.s32 $_size_execute0_lowered;
	s2 =	sadd.s32 s2, s4;
	[dreg:$0x0] =	wrdreg $0x0  }
0xa8: {  	s4 =	sshll.u32 s28, $0x1;
	[dreg:$0x2] =	wrdreg s2  }
0xa9: {  	[dreg:$0x3] =	wrdreg s4  }
0xaa: {  	[dreg:$0x4] =	wrdreg $0xC0  }
0xab: {  	_ =	task [dreg:s6], $0x5FFFF  }
0xac: {  	[dreg:$0x1] =	wrdreg $0xFFFFFFFF  }
0xad: {  	[dreg:$0x0] =	wrdreg $0x60  }
0xae: {  	[dreg:$0x2] =	wrdreg s24  }
0xaf: {  	[dreg:$0x3] =	wrdreg $0x54000  }
0xb0: {  	[dreg:$0x4] =	wrdreg $0x9  }
0xb1: {  	_ =	task.clear_ibuf [dreg:s6], $0x5FFFF;
	_ =	strace $0x90000046  }
0xb2: {  	s29 =	simm.s32 $0x9;
	_ =	strace $0x80000048  }
0xb3: {  	_ =	swait.ge [sflag:s29], $0x1  }
0xb4: {  	[sflag:s29] =	ssyncadd.s32 $0xFFFFFFFF  }
0xb5: {  	_ =	strace $0x90000048  }
0xb6: {  	_ =	sfence  }
0xb7: {  	s30 =	sld [smem:$0x0];
	_ =	sdelay $0x2  }
0xb8: {  	s31 =	sshll.u32 s1, $0xD;
	s1 =	sshrl.u32 s1, $0x2  }
0xb9: {  	s3 =	sand.u32 $0x4000, s31;
	s1 =	sadd.s32 s1, s30  }
0xba: {  	s0 =	sor.u32 s3, s0;
	s1 =	sshll.u32 s1, $0x11  }
0xbb: {  	s0 =	sor.u32 s1, s0  }
0xbc: {  	s0 =	sadd.s32 $0x8F2B, s0  }
0xbd: {  	[sflag:s0] =	ssyncadd.remote.s32 $0x1  }
0xbe: {  	_ =	sfence.sel $0xFFFF  }
0xbf: {  	[dreg:$0x0] =	wrdreg $0xFFFFFFFF;
	(pc) =	sbr.abs _section_cstart, $3  }
0xc0: {  	[dreg:$0x1] =	wrdreg $0xFFFFFFFF  }
0xc1: {  	_ =	task.clear_ibuf [dreg:s6], $0x2FFFF;
	_ =	strace $0x9FFFFFFF  }
0xc2: {  	(tm) =	ssettm $0x7FFFFFFF  }
0xc3: {  	_ =	shalt  }
tec
execute0_lowered:
.L_overlay_start_1:
0x0: {  	(tag) =	ssettag $0x1  }
0x1: {  	s0 =	srdreg.scid;
	s6 =	rddreg [dreg:$0x0]  }
0x2: {  	s2 =	rddreg [dreg:$0x1];
	s5 =	sand.u32 $0x1, s0;
	s0 =	stileid.u32  }
0x3: {  	s3 =	simm.s32 $0x0;
	s14 =	simm.s32 $0x0;
	s7 =	smul.u32 $0x13C00, s0  }
0x4: {  	[smem:$0x7FF] =	sst s3;
	s1 =	sshll.u32 s5, $0x4;
	s8 =	smul.u32 $0x13C000, s5  }
0x5: {  	s5 =	ssub.s32 $0x2, s5;
	s29 =	smul.u32 $0x4F000, s0;
	s31 =	sshll.u32 s0, $0x6  }
0x6: {  	s4 =	sor.u32 s0, s1;
	s1 =	rddreg [dreg:$0x2];
	_ =	strace $0x80000047  }
0x7: {  	s11 =	sshrl.u32 s5, $0x1;
	s4 =	smul.u32 $0x280, s4;
	s10 =	sshrl.u32 s7, $0x3  }
0x8: {  	s7 =	sadd.s32 s7, s8;
	s11 =	ssub.s32 s5, s11;
	s30 =	sshrl.u32 s29, $0x2  }
0x9: {  	s10 =	sadd.s32 s10, s6;
	s7 =	sshrl.u32 s7, $0x3;
	s13 =	sadd.s32 s30, s2  }
0xa: {  	s9 =	sadd.s32 s4, s6;
	s4 =	sadd.s32 $0x2EC00, s6;
	s12 =	sadd.s32 s7, s6  }
0xb: {  	s5 =	sadd.s32 $0x7400, s10;
	s6 =	sor.u32 $0x1C01, s31;
	s10 =	sshrl.u32 s13, $0x3  }
0xc: {  	s13 =	simm.s32 $0x80;
	s7 =	sadd.s32 $0x2400, s9;
	s8 =	sadd.s32 $0x2F400, s12  }
0xd: {  	s9 =	smax.u32 s11, $0x1;
	s11 =	simm.s32 $0x1;
	s12 =	simm.s32 $0x1400  }
.LBB2_1:
0xe: {  	[spmem:s10], [sflag:s6] =	dma.local [hbm:s5], $0x2780  }
0xf: {  	_ =	swait.ge [sflag:s11], $0x2780  }
0x10: {  	[sflag:s11] =	ssyncset.done $0x0  }
0x11: {  	[sflag:s11] =	ssyncadd.s32 $0xFFFFD880  }
0x12: {  	[tilespmem:s3], [sflag:$0x1] =	stream.linear.gather [hbm4b:s7+s3], $0x1400, $0x38;
	[tilespmem:$0x19000] =	vst v63  }
0x13: {  	_ =	swait.ge [sflag:s11], $0x1400  }
0x14: {  	[sflag:s11] =	ssyncset.done $0x0  }
0x15: {  	[sflag:s11] =	ssyncadd.s32 $0xFFFFEC00  }
0x16: {  	[tilespmem:s12], [sflag:$0x1] =	stream.linear.gather [hbm4b:s4+s3], $0x4000, $0x38;
	[tilespmem:$0x19000] =	vst v63  }
0x17: {  	_ =	swait.ge [sflag:s11], $0x4000  }
0x18: {  	[sflag:s11] =	ssyncset.done $0x0  }
0x19: {  	[sflag:s11] =	ssyncadd.s32 $0xFFFFC000  }
0x1a: {  	s15 =	simm.s32 $0x0;
	[bflag:$0x0] =	sbarrier.arrive $0xFFFF  }
0x1b: {  	[spmem:s2] =	stream.indirect.scatter.add.f32 [tilespmem:s12], [sflag:$0x1], $0x80, s15, s13, $0xb8;
	[tilespmem:$0x19000] =	vst v63  }
0x1c: {  	_ =	swait.ge [sflag:s11], $0x4000  }
0x1d: {  	s15 =	simm.s32 $0x200;
	[sflag:s11] =	ssyncset.done $0x0  }
.LBB2_2:
0x1e: {  	s16 =	sshra.s32 s15, $0x2;
	[sflag:s11] =	ssyncadd.s32 $0xFFFFC000;
	p0 =	sne.s32 s15, $0x4E00  }
0x1f: {  	[spmem:s2] =	stream.indirect.scatter.add.f32 [tilespmem:s12], [sflag:$0x1], $0x80, s16, s13, $0xb8;
	[tilespmem:$0x19000] =	vst v63  }
.Ltmp0:
0x20: {  	_ = 	snop;
	(pc) =	sbr.rel @p0 .LBB2_2-.Ltmp0, $4  }
0x21: {  	_ = 	snop  }
0x22: {  	s15 =	sadd.s32 $0x200, s15  }
0x23: {  	_ =	swait.ge [sflag:s11], $0x4000  }
0x24: {  	[sflag:s11] =	ssyncset.done $0x0  }
0x25: {  	s14 =	sadd.s32 $0x1, s14  }
0x26: {  	[sflag:s11] =	ssyncadd.s32 $0xFFFFC000;
	p0 =	sne.s32 s14, s9  }
.Ltmp1:
0x27: {  	[bflag:$0x0] =	sbarrier.arrive $0xFFFF;
	(pc) =	sbr.rel @p0 .LBB2_1-.Ltmp1, $4  }
0x28: {  	[hbm:s8], [sflag:s6] =	dma.local [spmem:s10], $0x2780  }
0x29: {  	_ =	swait.ge [sflag:s11], $0x2780  }
0x2a: {  	[sflag:s11] =	ssyncset.done $0x0  }
0x2b: {  	[sflag:s11] =	ssyncadd.s32 $0xFFFFD880  }
0x2c: {  	_ =	sfence.sel $0x180000  }
0x2d: {  	[bflag:$0x0] =	sbarrier.arrive $0xFFFF  }
0x2e: {  	p0 =	sne.s32 s0, $0x0;
	_ =	strace $0x90000047  }
0x2f: {  	s0 =	sadd.s32 @!p0 $0x100000, s1;
	[bflag:$0x2] =	sbarrier.arrive $0xFFFF  }
0x30: {  	[sflag:s0] =	ssyncadd.tile.s32 @!p0 $0x1;
	_ =	shalt  }
.Lfunc_end2:
_tile_overlayer_lowered:
.L_overlay_start_2:
0x31: {  	(tag) =	ssettag $0x2  }
0x32: {  	s0 =	rddreg [dreg:$0x0];
	s2 =	stileid.u32  }
0x33: {  	s1 =	rddreg [dreg:$0x1];
	p0 =	sne.s32 s2, $0x0  }
0x34: {  	s3 =	rddreg [dreg:$0x2];
	[bflag:$0x3] =	sbarrier.arrive $0xFFFF;
	s2 =	simm.s32 @!p0 $0x1C01  }
0x35: {  	[timem:s3], [sflag:s2] =	dma.local @!p0 [hbm:s0], s1  }
0x36: {  	s0 =	simm.s32 @!p0 $0x1  }
0x37: {  	_ =	swait.ge @!p0 [sflag:s0], s1  }
0x38: {  	s1 =	ssub.s32 @!p0 $0x0, s1;
	[sflag:s0] =	ssyncset.done @!p0 $0x0  }
0x39: {  	[sflag:s0] =	ssyncadd.s32 @!p0 s1  }
0x3a: {  	[bflag:$0x3] =	sbarrier.arrive $0xFFFF  }
0x3b: {  	_ =	shalt  }

</sc_bundles>
